<compile_context>
chip_gen: v7x
topology: tpu7x:2x2x1
jax: 0.10.2.dev20260603
libtpu: 0.0.44.dev20260713+nightly
codegen_flags: <defaults>
</compile_context>

<pallas_src>
import functools

import jax
import jax.numpy as jnp
from jax import lax
from jax.experimental import pallas as pl
from jax.experimental.pallas import tpu as pltpu
from jax.experimental.pallas import tpu_sc as plsc

FEAT = 128
CNT_W = 16
NC, NS = 2, 16
NW = NC * NS
ZROWS = 64


def _chunk_size(epw: int) -> int:
  for c in range(128, 7, -8):
    if epw % c == 0:
      return c
  return 8


def _pad_rows(n: int) -> int:
  q = NW * ZROWS
  return ((n + q - 1) // q) * q


@functools.lru_cache(maxsize=None)
def _sc_aggregate(e_total: int, n_pad: int, feat: int = FEAT):
  epw = e_total // NW
  c_sz = _chunk_size(epw)
  it = epw // c_sz
  rpt = n_pad // NS

  mesh = plsc.VectorSubcoreMesh(
      core_axis_name="c", subcore_axis_name="s", num_cores=NC, num_subcores=NS
  )

  def body(x_hbm, src_hbm, dst_hbm, zer_hbm, part_hbm,
           acc_sh, src_idx, dst_idx, rows0, rows1, sg0, sg1):
    ss0, ss1 = sg0, sg1
    cid = lax.axis_index("c")
    sid = lax.axis_index("s")
    wid = sid * NC + cid
    row0 = sid * rpt

    def gather(i, buf, sem):
      return pltpu.async_copy(
          x_hbm.at[src_idx.at[pl.ds(i * c_sz, c_sz)]], buf, sem)

    def gather_wait(i, buf, sem):
      pltpu.make_async_copy(
          x_hbm.at[src_idx.at[pl.ds(i * c_sz, c_sz)]], buf, sem).wait()

    def scat(i, buf, sem):
      return pltpu.async_copy(buf, acc_sh.at[dst_idx.at[i]], sem, add=True)

    def scat_wait(i, buf, sem):
      pltpu.make_async_copy(buf, acc_sh.at[dst_idx.at[i]], sem).wait()

    pltpu.sync_copy(zer_hbm, acc_sh.at[pl.ds(row0, rpt)])

    pltpu.sync_copy(src_hbm.at[pl.ds(wid * epw, epw)], src_idx)
    pltpu.sync_copy(dst_hbm.at[wid], dst_idx)

    plsc.subcore_barrier()

    pairs = it // 2
    gather(0, rows0, sg0)
    if it > 1:
      gather(1, rows1, sg1)

    def pair(j, carry):
      i0 = j * 2
      i1 = i0 + 1
      gather_wait(i0, rows0, sg0)
      scat(i0, rows0, ss0)
      gather_wait(i1, rows1, sg1)
      scat(i1, rows1, ss1)
      scat_wait(i0, rows0, ss0)

      @pl.when(i0 + 2 < it)
      def _():
        gather(i0 + 2, rows0, sg0)

      scat_wait(i1, rows1, ss1)

      @pl.when(i1 + 2 < it)
      def _():
        gather(i1 + 2, rows1, sg1)

      return carry

    lax.fori_loop(0, pairs, pair, 0)

    if it % 2 == 1:
      i_last = it - 1
      gather_wait(i_last, rows0, sg0)
      scat(i_last, rows0, ss0)
      scat_wait(i_last, rows0, ss0)

    plsc.subcore_barrier()

    pltpu.sync_copy(acc_sh.at[pl.ds(row0, rpt)],
                    part_hbm.at[cid, pl.ds(row0, rpt)])

  return pl.kernel(
      body,
      out_type=[jax.ShapeDtypeStruct((NC, n_pad, feat), jnp.float32)],
      mesh=mesh,
      scratch_types=[
          pltpu.VMEM_SHARED((n_pad, feat), jnp.float32),
          pltpu.VMEM((epw,), jnp.int32),
          pltpu.VMEM((it, c_sz), jnp.int32),
          pltpu.VMEM((c_sz, feat), jnp.float32),
          pltpu.VMEM((c_sz, feat), jnp.float32),
          pltpu.SemaphoreType.DMA,
          pltpu.SemaphoreType.DMA,
      ],
  )


@functools.lru_cache(maxsize=None)
def _sc_counts(e_total: int, n_pad: int):
  epw = e_total // NW
  c_sz = _chunk_size(epw)
  it = epw // c_sz
  rpt = n_pad // NS

  mesh = plsc.VectorSubcoreMesh(
      core_axis_name="c", subcore_axis_name="s", num_cores=NC, num_subcores=NS
  )

  def body(dst_hbm, ones_hbm, zer_hbm, cnt_hbm, cnt_sh, dst_idx, ones_v, sem):
    cid = lax.axis_index("c")
    sid = lax.axis_index("s")
    wid = sid * NC + cid
    row0 = sid * rpt

    pltpu.sync_copy(zer_hbm, cnt_sh.at[pl.ds(row0, rpt)])
    pltpu.sync_copy(ones_hbm, ones_v)
    pltpu.sync_copy(dst_hbm.at[wid], dst_idx)

    plsc.subcore_barrier()

    def fire(i, carry):
      pltpu.async_copy(ones_v, cnt_sh.at[dst_idx.at[i]], sem, add=True)
      return carry

    def drain(i, carry):
      pltpu.make_async_copy(ones_v, cnt_sh.at[dst_idx.at[i]], sem).wait()
      return carry

    lax.fori_loop(0, it, fire, 0)
    lax.fori_loop(0, it, drain, 0)

    plsc.subcore_barrier()

    pltpu.sync_copy(cnt_sh.at[pl.ds(row0, rpt)],
                    cnt_hbm.at[cid, pl.ds(row0, rpt)])

  return pl.kernel(
      body,
      out_type=[jax.ShapeDtypeStruct((NC, n_pad, FEAT), jnp.float32)],
      mesh=mesh,
      scratch_types=[
          pltpu.VMEM_SHARED((n_pad, FEAT), jnp.float32),
          pltpu.VMEM((it, c_sz), jnp.int32),
          pltpu.VMEM((c_sz, FEAT), jnp.float32),
          pltpu.SemaphoreType.DMA,
      ],
  )


def _dense_layer(part, cnt, xin, w_l_t, w_r_t, b, activation):
  n = xin.shape[0]
  rblk = 1000
  grid = (n // rblk,)

  def body(p_ref, c_ref, x_ref, wl_ref, wr_ref, b_ref, o_ref):
    ssum = p_ref[0] + p_ref[1]
    cvec = c_ref[0, :, 0:1] + c_ref[1, :, 0:1]
    mean = ssum / jnp.maximum(cvec, 1.0)
    y = (
        jnp.dot(mean, wl_ref[...], preferred_element_type=jnp.float32,
                precision=lax.Precision.HIGHEST)
        + jnp.dot(x_ref[...], wr_ref[...], preferred_element_type=jnp.float32,
                  precision=lax.Precision.HIGHEST)
        + b_ref[...]
    )
    if activation == "relu":
      o_ref[...] = jnp.maximum(y, 0.0)
    else:
      m = jnp.max(y, axis=1, keepdims=True)
      e = jnp.exp(y - m)
      o_ref[...] = e / jnp.sum(e, axis=1, keepdims=True)

  return pl.pallas_call(
      body,
      grid=grid,
      in_specs=[
          pl.BlockSpec((NC, rblk, FEAT), lambda i: (0, i, 0)),
          pl.BlockSpec((NC, rblk, FEAT), lambda i: (0, i, 0)),
          pl.BlockSpec((rblk, FEAT), lambda i: (i, 0)),
          pl.BlockSpec((FEAT, FEAT), lambda i: (0, 0)),
          pl.BlockSpec((FEAT, FEAT), lambda i: (0, 0)),
          pl.BlockSpec((1, FEAT), lambda i: (0, 0)),
      ],
      out_specs=pl.BlockSpec((rblk, FEAT), lambda i: (i, 0)),
      out_shape=jax.ShapeDtypeStruct((n, FEAT), jnp.float32),
  )(part, cnt, xin, w_l_t, w_r_t, b)


def kernel(x, edge_index, W1_l, W1_r, b1, W2_l, W2_r, b2):
  x = x.astype(jnp.float32)
  src = edge_index[0].astype(jnp.int32)
  dst = edge_index[1].astype(jnp.int32)
  e_total = src.shape[0]
  n = x.shape[0]
  n_pad = _pad_rows(n)

  epw = e_total // NW
  c_sz = _chunk_size(epw)
  dst3 = dst.reshape(NW, epw // c_sz, c_sz)

  ones_in = jnp.ones((c_sz, FEAT), jnp.float32)
  zer_in = jnp.zeros((n_pad // NS, FEAT), jnp.float32)

  (cnt,) = _sc_counts(e_total, n_pad)(dst3, ones_in, zer_in)
  (part1,) = _sc_aggregate(e_total, n_pad)(x, src, dst3, zer_in)
  h = _dense_layer(part1, cnt, x, W1_l.T, W1_r.T, b1.reshape(1, FEAT), "relu")
  (part2,) = _sc_aggregate(e_total, n_pad)(h, src, dst3, zer_in)
  return _dense_layer(part2, cnt, h, W2_l.T, W2_r.T, b2.reshape(1, FEAT),
                      "softmax")

# --- scband reference (transcript-rebuilt; emitter-appended) ---
"""Pipeline reference for scband-gnn-34875134443755 (READ-ONLY COPY).

The authoritative reference and input builder live on the scoring server;
editing this copy changes nothing except your own understanding.
"""

import jax, jax.numpy as jnp
import numpy as np

N = 10000
E = 320000
D = 128
H = 128
O = 128

def setup_inputs(seed: int = 0) -> dict:
    key = jax.random.key(seed)
    ks = jax.random.split(key, 9)
    x = jax.random.normal(ks[0], (N, D), dtype=jnp.float32)
    edge_index = jax.random.randint(ks[1], (2, E), 0, N, dtype=jnp.int64)
    # SAGEConv layer 1: lazy in_channels resolves to D
    W1_l = jax.random.normal(ks[2], (H, D), dtype=jnp.float32) * (1.0 / np.sqrt(D))
    W1_r = jax.random.normal(ks[3], (H, D), dtype=jnp.float32) * (1.0 / np.sqrt(D))
    b1 = jnp.zeros((H,), dtype=jnp.float32)
    # SAGEConv layer 2
    W2_l = jax.random.normal(ks[4], (O, H), dtype=jnp.float32) * (1.0 / np.sqrt(H))
    W2_r = jax.random.normal(ks[5], (O, H), dtype=jnp.float32) * (1.0 / np.sqrt(H))
    b2 = jnp.zeros((O,), dtype=jnp.float32)
    return {"x": x, "edge_index": edge_index, "W1_l": W1_l, "W1_r": W1_r, "b1": b1, "W2_l": W2_l, "W2_r": W2_r, "b2": b2}

def _sage_conv(x, edge_index, W_l, W_r, b):
    # PyG SAGEConv with mean aggregation:
    # out_i = W_l @ mean_{j in N(i)} x_j + W_r @ x_i + b
    src = edge_index[0]
    dst = edge_index[1]
    msgs = jnp.take(x, src, axis=0)                      # gather [E, d]
    summed = jax.ops.segment_sum(msgs, dst, num_segments=N)   # scatter-add [N, d]
    cnt = jax.ops.segment_sum(jnp.ones((msgs.shape[0],), dtype=x.dtype), dst, num_segments=N)
    mean = summed / jnp.clip(cnt, 1.0, None)[:, None]
    return mean @ W_l.T + x @ W_r.T + b

def reference(x, edge_index, W1_l, W1_r, b1, W2_l, W2_r, b2):
    h = _sage_conv(x, edge_index, W1_l, W1_r, b1)
    h = jax.nn.relu(h)
    out = _sage_conv(h, edge_index, W2_l, W2_r, b2)
    return jax.nn.softmax(out, axis=1)

if __name__ == "__main__":
    import jax
    _d = setup_inputs()
    print(jax.jit(kernel)(*tuple(_d.values())))

</pallas_src>

<mosaic_0001>
#map = affine_map<(d0, d1) -> (0, 0)>
#map1 = affine_map<(d0, d1) -> (0)>
#map2 = affine_map<(d0, d1) -> (0, 0, 0)>
module attributes {stable_mosaic.version = 14 : i64} {
  func.func @body(%arg0: i32, %arg1: i32, %arg2: memref<10000x128xf32, #tpu.memory_space<hbm>>, %arg3: memref<320000xi32, #tpu.memory_space<hbm>>, %arg4: memref<32x125x80xi32, #tpu.memory_space<hbm>>, %arg5: memref<640x128xf32, #tpu.memory_space<hbm>>, %arg6: memref<2x10240x128xf32, #tpu.memory_space<hbm>>, %arg7: memref<10240x128xf32, #tpu.memory_space<vmem_shared>>, %arg8: memref<10000xi32, #tpu.memory_space<vmem>>, %arg9: memref<125x80xi32, #tpu.memory_space<vmem>>, %arg10: memref<80x128xf32, #tpu.memory_space<vmem>>, %arg11: memref<80x128xf32, #tpu.memory_space<vmem>>, %arg12: memref<!tpu.dma_semaphore, #tpu.memory_space<semaphore_mem>>, %arg13: memref<!tpu.dma_semaphore, #tpu.memory_space<semaphore_mem>>) attributes {dimension_semantics = [#tpu.dimension_semantics<core_parallel>, #tpu.dimension_semantics<subcore_parallel>], iteration_bounds = array<i64: 2, 16>, scalar_prefetch = 0 : i64, scratch_operands = 7 : i64, tpu.core_type = #tpu.core_type<sc_vector_subcore>, window_params = [{transform_indices = #map}, {transform_indices = #map1}, {transform_indices = #map2}, {transform_indices = #map}, {transform_indices = #map2}]} {
    %mul3A = arith.constant 2 : i32
    %mul3A_0 = arith.muli %arg1, %mul3A : i32
    %add3A = arith.addi %mul3A_0, %arg0 : i32
    %mul3A_1 = arith.constant 640 : i32
    %mul3A_2 = arith.muli %arg1, %mul3A_1 : i32
    "tpu.region"() ({
      %run_scoped3A = tpu.sem_alloc : memref<!tpu.dma_semaphore, #tpu.memory_space<semaphore_mem>>
      %dma_start3A_38 = arith.constant 0 : i32
      %dma_start3A_39 = tpu.memref_slice %arg7[%mul3A_2, %dma_start3A_38] : memref<10240x128xf32, #tpu.memory_space<vmem_shared>> -> memref<640x128xf32, #tpu.memory_space<vmem_shared>>
      tpu.enqueue_dma source(%arg5 : memref<640x128xf32, #tpu.memory_space<hbm>>) target(%dma_start3A_39 : memref<640x128xf32, #tpu.memory_space<vmem_shared>>) target_semaphore(%run_scoped3A : memref<!tpu.dma_semaphore, #tpu.memory_space<semaphore_mem>>)
      %dma_wait3A_40 = arith.constant 0 : i32
      %dma_wait3A_41 = tpu.memref_slice %arg7[%mul3A_2, %dma_wait3A_40] : memref<10240x128xf32, #tpu.memory_space<vmem_shared>> -> memref<640x128xf32, #tpu.memory_space<vmem_shared>>
      tpu.wait_dma2 semaphore(%run_scoped3A : memref<!tpu.dma_semaphore, #tpu.memory_space<semaphore_mem>>) src(%arg5 : memref<640x128xf32, #tpu.memory_space<hbm>>) dst(%dma_wait3A_41 : memref<640x128xf32, #tpu.memory_space<vmem_shared>>)
      tpu.yield
    }) : () -> ()
    %mul3A_3 = arith.constant 10000 : i32
    %mul3A_4 = arith.muli %add3A, %mul3A_3 : i32
    "tpu.region"() ({
      %run_scoped3A = tpu.sem_alloc : memref<!tpu.dma_semaphore, #tpu.memory_space<semaphore_mem>>
      %dma_start3A_38 = tpu.memref_slice %arg3[%mul3A_4] : memref<320000xi32, #tpu.memory_space<hbm>> -> memref<10000xi32, #tpu.memory_space<hbm>>
      %dma_start3A_39 = tpu.memref_slice %arg3[%mul3A_4] : memref<320000xi32, #tpu.memory_space<hbm>> -> memref<10000xi32, #tpu.memory_space<hbm>>
      tpu.enqueue_dma source(%dma_start3A_39 : memref<10000xi32, #tpu.memory_space<hbm>>) target(%arg8 : memref<10000xi32, #tpu.memory_space<vmem>>) target_semaphore(%run_scoped3A : memref<!tpu.dma_semaphore, #tpu.memory_space<semaphore_mem>>)
      %dma_wait3A_40 = tpu.memref_slice %arg3[%mul3A_4] : memref<320000xi32, #tpu.memory_space<hbm>> -> memref<10000xi32, #tpu.memory_space<hbm>>
      %dma_wait3A_41 = tpu.memref_slice %arg3[%mul3A_4] : memref<320000xi32, #tpu.memory_space<hbm>> -> memref<10000xi32, #tpu.memory_space<hbm>>
      tpu.wait_dma2 semaphore(%run_scoped3A : memref<!tpu.dma_semaphore, #tpu.memory_space<semaphore_mem>>) src(%dma_wait3A_41 : memref<10000xi32, #tpu.memory_space<hbm>>) dst(%arg8 : memref<10000xi32, #tpu.memory_space<vmem>>)
      tpu.yield
    }) : () -> ()
    "tpu.region"() ({
      %run_scoped3A = tpu.sem_alloc : memref<!tpu.dma_semaphore, #tpu.memory_space<semaphore_mem>>
      %dma_start3A_38 = arith.constant 0 : i32
      %dma_start3A_39 = arith.constant 0 : i32
      %dma_start3A_40 = tpu.memref_slice %arg4[%add3A, %dma_start3A_38, %dma_start3A_39] : memref<32x125x80xi32, #tpu.memory_space<hbm>> -> memref<1x125x80xi32, #tpu.memory_space<hbm>>
      %dma_start3A_41 = tpu.memref_squeeze %dma_start3A_40 : memref<1x125x80xi32, #tpu.memory_space<hbm>> -> memref<125x80xi32, #tpu.memory_space<hbm>>
      %dma_start3A_42 = arith.constant 0 : i32
      %dma_start3A_43 = arith.constant 0 : i32
      %dma_start3A_44 = tpu.memref_slice %arg4[%add3A, %dma_start3A_42, %dma_start3A_43] : memref<32x125x80xi32, #tpu.memory_space<hbm>> -> memref<1x125x80xi32, #tpu.memory_space<hbm>>
      %dma_start3A_45 = tpu.memref_squeeze %dma_start3A_44 : memref<1x125x80xi32, #tpu.memory_space<hbm>> -> memref<125x80xi32, #tpu.memory_space<hbm>>
      tpu.enqueue_dma source(%dma_start3A_45 : memref<125x80xi32, #tpu.memory_space<hbm>>) target(%arg9 : memref<125x80xi32, #tpu.memory_space<vmem>>) target_semaphore(%run_scoped3A : memref<!tpu.dma_semaphore, #tpu.memory_space<semaphore_mem>>)
      %dma_wait3A_46 = arith.constant 0 : i32
      %dma_wait3A_47 = arith.constant 0 : i32
      %dma_wait3A_48 = tpu.memref_slice %arg4[%add3A, %dma_wait3A_46, %dma_wait3A_47] : memref<32x125x80xi32, #tpu.memory_space<hbm>> -> memref<1x125x80xi32, #tpu.memory_space<hbm>>
      %dma_wait3A_49 = tpu.memref_squeeze %dma_wait3A_48 : memref<1x125x80xi32, #tpu.memory_space<hbm>> -> memref<125x80xi32, #tpu.memory_space<hbm>>
      %dma_wait3A_50 = arith.constant 0 : i32
      %dma_wait3A_51 = arith.constant 0 : i32
      %dma_wait3A_52 = tpu.memref_slice %arg4[%add3A, %dma_wait3A_50, %dma_wait3A_51] : memref<32x125x80xi32, #tpu.memory_space<hbm>> -> memref<1x125x80xi32, #tpu.memory_space<hbm>>
      %dma_wait3A_53 = tpu.memref_squeeze %dma_wait3A_52 : memref<1x125x80xi32, #tpu.memory_space<hbm>> -> memref<125x80xi32, #tpu.memory_space<hbm>>
      tpu.wait_dma2 semaphore(%run_scoped3A : memref<!tpu.dma_semaphore, #tpu.memory_space<semaphore_mem>>) src(%dma_wait3A_53 : memref<125x80xi32, #tpu.memory_space<hbm>>) dst(%arg9 : memref<125x80xi32, #tpu.memory_space<vmem>>)
      tpu.yield
    }) : () -> ()
    %barrier3A = arith.constant 0 : index
    tpu.barrier barrier_id(%barrier3A)
    %dma_start3A = arith.constant 0 : i32
    %dma_start3A_5 = tpu.memref_slice %arg8[%dma_start3A] : memref<10000xi32, #tpu.memory_space<vmem>> -> memref<80xi32, #tpu.memory_space<vmem>>
    %dma_start3A_6 = arith.constant 0 : i32
    %dma_start3A_7 = arith.constant 0 : i32
    %dma_start3A_8 = tpu.memref_slice %arg2[%dma_start3A_6, %dma_start3A_7] : memref<10000x128xf32, #tpu.memory_space<hbm>> -> memref<10000x128xf32, #tpu.memory_space<hbm>>
    tpu.enqueue_indirect_dma source(%dma_start3A_8 : memref<10000x128xf32, #tpu.memory_space<hbm>>) target(%arg10 : memref<80x128xf32, #tpu.memory_space<vmem>>) offsets(%dma_start3A_5 : memref<80xi32, #tpu.memory_space<vmem>>) semaphore(%arg12 : memref<!tpu.dma_semaphore, #tpu.memory_space<semaphore_mem>>)
    %dma_start3A_9 = arith.constant 80 : i32
    %dma_start3A_10 = tpu.memref_slice %arg8[%dma_start3A_9] : memref<10000xi32, #tpu.memory_space<vmem>> -> memref<80xi32, #tpu.memory_space<vmem>>
    %dma_start3A_11 = arith.constant 0 : i32
    %dma_start3A_12 = arith.constant 0 : i32
    %dma_start3A_13 = tpu.memref_slice %arg2[%dma_start3A_11, %dma_start3A_12] : memref<10000x128xf32, #tpu.memory_space<hbm>> -> memref<10000x128xf32, #tpu.memory_space<hbm>>
    tpu.enqueue_indirect_dma source(%dma_start3A_13 : memref<10000x128xf32, #tpu.memory_space<hbm>>) target(%arg11 : memref<80x128xf32, #tpu.memory_space<vmem>>) offsets(%dma_start3A_10 : memref<80xi32, #tpu.memory_space<vmem>>) semaphore(%arg13 : memref<!tpu.dma_semaphore, #tpu.memory_space<semaphore_mem>>)
    %scan3A = arith.constant 0 : i32
    %scan3A_14 = arith.constant 0 : i32
    %scan3A_15 = arith.constant 62 : i32
    %scan3A_16 = arith.addi %scan3A_14, %scan3A_15 : i32
    %scan3A_17 = arith.constant 1 : i32
    scf.for %scan3A_38 = %scan3A_14 to %scan3A_16 step %scan3A_17  : i32 {
      %mul3A_39 = arith.constant 2 : i32
      %mul3A_40 = arith.muli %scan3A_38, %mul3A_39 : i32
      %add3A_41 = arith.constant 1 : i32
      %add3A_42 = arith.addi %mul3A_40, %add3A_41 : i32
      %mul3A_43 = arith.constant 80 : i32
      %mul3A_44 = arith.muli %mul3A_40, %mul3A_43 : i32
      %dma_wait3A_45 = tpu.memref_slice %arg8[%mul3A_44] : memref<10000xi32, #tpu.memory_space<vmem>> -> memref<80xi32, #tpu.memory_space<vmem>>
      %dma_wait3A_46 = arith.constant 0 : i32
      %dma_wait3A_47 = arith.constant 0 : i32
      %dma_wait3A_48 = tpu.memref_slice %arg2[%dma_wait3A_46, %dma_wait3A_47] : memref<10000x128xf32, #tpu.memory_space<hbm>> -> memref<10000x128xf32, #tpu.memory_space<hbm>>
      tpu.wait_indirect_dma semaphore(%arg12 : memref<!tpu.dma_semaphore, #tpu.memory_space<semaphore_mem>>) src(%dma_wait3A_48 : memref<10000x128xf32, #tpu.memory_space<hbm>>) dst(%arg10 : memref<80x128xf32, #tpu.memory_space<vmem>>)
      %dma_start3A_49 = arith.constant 0 : i32
      %dma_start3A_50 = tpu.memref_slice %arg9[%mul3A_40, %dma_start3A_49] : memref<125x80xi32, #tpu.memory_space<vmem>> -> memref<1x80xi32, #tpu.memory_space<vmem>>
      %dma_start3A_51 = tpu.memref_squeeze %dma_start3A_50 : memref<1x80xi32, #tpu.memory_space<vmem>> -> memref<80xi32, #tpu.memory_space<vmem>>
      %dma_start3A_52 = arith.constant 0 : i32
      %dma_start3A_53 = arith.constant 0 : i32
      %dma_start3A_54 = tpu.memref_slice %arg7[%dma_start3A_52, %dma_start3A_53] : memref<10240x128xf32, #tpu.memory_space<vmem_shared>> -> memref<10240x128xf32, #tpu.memory_space<vmem_shared>>
      tpu.enqueue_indirect_dma source(%arg10 : memref<80x128xf32, #tpu.memory_space<vmem>>) target(%dma_start3A_54 : memref<10240x128xf32, #tpu.memory_space<vmem_shared>>) offsets(%dma_start3A_51 : memref<80xi32, #tpu.memory_space<vmem>>) semaphore(%arg12 : memref<!tpu.dma_semaphore, #tpu.memory_space<semaphore_mem>>) {add = true}
      %mul3A_55 = arith.constant 80 : i32
      %mul3A_56 = arith.muli %add3A_42, %mul3A_55 : i32
      %dma_wait3A_57 = tpu.memref_slice %arg8[%mul3A_56] : memref<10000xi32, #tpu.memory_space<vmem>> -> memref<80xi32, #tpu.memory_space<vmem>>
      %dma_wait3A_58 = arith.constant 0 : i32
      %dma_wait3A_59 = arith.constant 0 : i32
      %dma_wait3A_60 = tpu.memref_slice %arg2[%dma_wait3A_58, %dma_wait3A_59] : memref<10000x128xf32, #tpu.memory_space<hbm>> -> memref<10000x128xf32, #tpu.memory_space<hbm>>
      tpu.wait_indirect_dma semaphore(%arg13 : memref<!tpu.dma_semaphore, #tpu.memory_space<semaphore_mem>>) src(%dma_wait3A_60 : memref<10000x128xf32, #tpu.memory_space<hbm>>) dst(%arg11 : memref<80x128xf32, #tpu.memory_space<vmem>>)
      %dma_start3A_61 = arith.constant 0 : i32
      %dma_start3A_62 = tpu.memref_slice %arg9[%add3A_42, %dma_start3A_61] : memref<125x80xi32, #tpu.memory_space<vmem>> -> memref<1x80xi32, #tpu.memory_space<vmem>>
      %dma_start3A_63 = tpu.memref_squeeze %dma_start3A_62 : memref<1x80xi32, #tpu.memory_space<vmem>> -> memref<80xi32, #tpu.memory_space<vmem>>
      %dma_start3A_64 = arith.constant 0 : i32
      %dma_start3A_65 = arith.constant 0 : i32
      %dma_start3A_66 = tpu.memref_slice %arg7[%dma_start3A_64, %dma_start3A_65] : memref<10240x128xf32, #tpu.memory_space<vmem_shared>> -> memref<10240x128xf32, #tpu.memory_space<vmem_shared>>
      tpu.enqueue_indirect_dma source(%arg11 : memref<80x128xf32, #tpu.memory_space<vmem>>) target(%dma_start3A_66 : memref<10240x128xf32, #tpu.memory_space<vmem_shared>>) offsets(%dma_start3A_63 : memref<80xi32, #tpu.memory_space<vmem>>) semaphore(%arg13 : memref<!tpu.dma_semaphore, #tpu.memory_space<semaphore_mem>>) {add = true}
      %dma_wait3A_67 = arith.constant 0 : i32
      %dma_wait3A_68 = tpu.memref_slice %arg9[%mul3A_40, %dma_wait3A_67] : memref<125x80xi32, #tpu.memory_space<vmem>> -> memref<1x80xi32, #tpu.memory_space<vmem>>
      %dma_wait3A_69 = tpu.memref_squeeze %dma_wait3A_68 : memref<1x80xi32, #tpu.memory_space<vmem>> -> memref<80xi32, #tpu.memory_space<vmem>>
      %dma_wait3A_70 = arith.constant 0 : i32
      %dma_wait3A_71 = arith.constant 0 : i32
      %dma_wait3A_72 = tpu.memref_slice %arg7[%dma_wait3A_70, %dma_wait3A_71] : memref<10240x128xf32, #tpu.memory_space<vmem_shared>> -> memref<10240x128xf32, #tpu.memory_space<vmem_shared>>
      tpu.wait_indirect_dma semaphore(%arg12 : memref<!tpu.dma_semaphore, #tpu.memory_space<semaphore_mem>>) src(%arg10 : memref<80x128xf32, #tpu.memory_space<vmem>>) dst(%dma_wait3A_72 : memref<10240x128xf32, #tpu.memory_space<vmem_shared>>)
      %add3A_73 = arith.constant 2 : i32
      %add3A_74 = arith.addi %mul3A_40, %add3A_73 : i32
      %lt3A = arith.constant 125 : i32
      %lt3A_75 = arith.cmpi slt, %add3A_74, %lt3A : i32
      %convert_element_type3A = arith.extui %lt3A_75 : i1 to i32
      %cond3A = arith.constant 0 : i32
      %cond3A_76 = arith.cmpi ne, %convert_element_type3A, %cond3A : i32
      scf.if %cond3A_76 {
        %add3A_90 = arith.constant 2 : i32
        %add3A_91 = arith.addi %mul3A_40, %add3A_90 : i32
        %mul3A_92 = arith.constant 80 : i32
        %mul3A_93 = arith.muli %add3A_91, %mul3A_92 : i32
        %dma_start3A_94 = tpu.memref_slice %arg8[%mul3A_93] : memref<10000xi32, #tpu.memory_space<vmem>> -> memref<80xi32, #tpu.memory_space<vmem>>
        %dma_start3A_95 = arith.constant 0 : i32
        %dma_start3A_96 = arith.constant 0 : i32
        %dma_start3A_97 = tpu.memref_slice %arg2[%dma_start3A_95, %dma_start3A_96] : memref<10000x128xf32, #tpu.memory_space<hbm>> -> memref<10000x128xf32, #tpu.memory_space<hbm>>
        tpu.enqueue_indirect_dma source(%dma_start3A_97 : memref<10000x128xf32, #tpu.memory_space<hbm>>) target(%arg10 : memref<80x128xf32, #tpu.memory_space<vmem>>) offsets(%dma_start3A_94 : memref<80xi32, #tpu.memory_space<vmem>>) semaphore(%arg12 : memref<!tpu.dma_semaphore, #tpu.memory_space<semaphore_mem>>)
      } else {
      }
      %dma_wait3A_77 = arith.constant 0 : i32
      %dma_wait3A_78 = tpu.memref_slice %arg9[%add3A_42, %dma_wait3A_77] : memref<125x80xi32, #tpu.memory_space<vmem>> -> memref<1x80xi32, #tpu.memory_space<vmem>>
      %dma_wait3A_79 = tpu.memref_squeeze %dma_wait3A_78 : memref<1x80xi32, #tpu.memory_space<vmem>> -> memref<80xi32, #tpu.memory_space<vmem>>
      %dma_wait3A_80 = arith.constant 0 : i32
      %dma_wait3A_81 = arith.constant 0 : i32
      %dma_wait3A_82 = tpu.memref_slice %arg7[%dma_wait3A_80, %dma_wait3A_81] : memref<10240x128xf32, #tpu.memory_space<vmem_shared>> -> memref<10240x128xf32, #tpu.memory_space<vmem_shared>>
      tpu.wait_indirect_dma semaphore(%arg13 : memref<!tpu.dma_semaphore, #tpu.memory_space<semaphore_mem>>) src(%arg11 : memref<80x128xf32, #tpu.memory_space<vmem>>) dst(%dma_wait3A_82 : memref<10240x128xf32, #tpu.memory_space<vmem_shared>>)
      %add3A_83 = arith.constant 2 : i32
      %add3A_84 = arith.addi %add3A_42, %add3A_83 : i32
      %lt3A_85 = arith.constant 125 : i32
      %lt3A_86 = arith.cmpi slt, %add3A_84, %lt3A_85 : i32
      %convert_element_type3A_87 = arith.extui %lt3A_86 : i1 to i32
      %cond3A_88 = arith.constant 0 : i32
      %cond3A_89 = arith.cmpi ne, %convert_element_type3A_87, %cond3A_88 : i32
      scf.if %cond3A_89 {
        %add3A_90 = arith.constant 2 : i32
        %add3A_91 = arith.addi %add3A_42, %add3A_90 : i32
        %mul3A_92 = arith.constant 80 : i32
        %mul3A_93 = arith.muli %add3A_91, %mul3A_92 : i32
        %dma_start3A_94 = tpu.memref_slice %arg8[%mul3A_93] : memref<10000xi32, #tpu.memory_space<vmem>> -> memref<80xi32, #tpu.memory_space<vmem>>
        %dma_start3A_95 = arith.constant 0 : i32
        %dma_start3A_96 = arith.constant 0 : i32
        %dma_start3A_97 = tpu.memref_slice %arg2[%dma_start3A_95, %dma_start3A_96] : memref<10000x128xf32, #tpu.memory_space<hbm>> -> memref<10000x128xf32, #tpu.memory_space<hbm>>
        tpu.enqueue_indirect_dma source(%dma_start3A_97 : memref<10000x128xf32, #tpu.memory_space<hbm>>) target(%arg11 : memref<80x128xf32, #tpu.memory_space<vmem>>) offsets(%dma_start3A_94 : memref<80xi32, #tpu.memory_space<vmem>>) semaphore(%arg13 : memref<!tpu.dma_semaphore, #tpu.memory_space<semaphore_mem>>)
      } else {
      }
    }
    %scan3A_18 = arith.constant 62 : i32
    %dma_wait3A = arith.constant 9920 : i32
    %dma_wait3A_19 = tpu.memref_slice %arg8[%dma_wait3A] : memref<10000xi32, #tpu.memory_space<vmem>> -> memref<80xi32, #tpu.memory_space<vmem>>
    %dma_wait3A_20 = arith.constant 0 : i32
    %dma_wait3A_21 = arith.constant 0 : i32
    %dma_wait3A_22 = tpu.memref_slice %arg2[%dma_wait3A_20, %dma_wait3A_21] : memref<10000x128xf32, #tpu.memory_space<hbm>> -> memref<10000x128xf32, #tpu.memory_space<hbm>>
    tpu.wait_indirect_dma semaphore(%arg12 : memref<!tpu.dma_semaphore, #tpu.memory_space<semaphore_mem>>) src(%dma_wait3A_22 : memref<10000x128xf32, #tpu.memory_space<hbm>>) dst(%arg10 : memref<80x128xf32, #tpu.memory_space<vmem>>)
    %dma_start3A_23 = arith.constant 124 : i32
    %dma_start3A_24 = arith.constant 0 : i32
    %dma_start3A_25 = tpu.memref_slice %arg9[%dma_start3A_23, %dma_start3A_24] : memref<125x80xi32, #tpu.memory_space<vmem>> -> memref<1x80xi32, #tpu.memory_space<vmem>>
    %dma_start3A_26 = tpu.memref_squeeze %dma_start3A_25 : memref<1x80xi32, #tpu.memory_space<vmem>> -> memref<80xi32, #tpu.memory_space<vmem>>
    %dma_start3A_27 = arith.constant 0 : i32
    %dma_start3A_28 = arith.constant 0 : i32
    %dma_start3A_29 = tpu.memref_slice %arg7[%dma_start3A_27, %dma_start3A_28] : memref<10240x128xf32, #tpu.memory_space<vmem_shared>> -> memref<10240x128xf32, #tpu.memory_space<vmem_shared>>
    tpu.enqueue_indirect_dma source(%arg10 : memref<80x128xf32, #tpu.memory_space<vmem>>) target(%dma_start3A_29 : memref<10240x128xf32, #tpu.memory_space<vmem_shared>>) offsets(%dma_start3A_26 : memref<80xi32, #tpu.memory_space<vmem>>) semaphore(%arg12 : memref<!tpu.dma_semaphore, #tpu.memory_space<semaphore_mem>>) {add = true}
    %dma_wait3A_30 = arith.constant 124 : i32
    %dma_wait3A_31 = arith.constant 0 : i32
    %dma_wait3A_32 = tpu.memref_slice %arg9[%dma_wait3A_30, %dma_wait3A_31] : memref<125x80xi32, #tpu.memory_space<vmem>> -> memref<1x80xi32, #tpu.memory_space<vmem>>
    %dma_wait3A_33 = tpu.memref_squeeze %dma_wait3A_32 : memref<1x80xi32, #tpu.memory_space<vmem>> -> memref<80xi32, #tpu.memory_space<vmem>>
    %dma_wait3A_34 = arith.constant 0 : i32
    %dma_wait3A_35 = arith.constant 0 : i32
    %dma_wait3A_36 = tpu.memref_slice %arg7[%dma_wait3A_34, %dma_wait3A_35] : memref<10240x128xf32, #tpu.memory_space<vmem_shared>> -> memref<10240x128xf32, #tpu.memory_space<vmem_shared>>
    tpu.wait_indirect_dma semaphore(%arg12 : memref<!tpu.dma_semaphore, #tpu.memory_space<semaphore_mem>>) src(%arg10 : memref<80x128xf32, #tpu.memory_space<vmem>>) dst(%dma_wait3A_36 : memref<10240x128xf32, #tpu.memory_space<vmem_shared>>)
    %barrier3A_37 = arith.constant 0 : index
    tpu.barrier barrier_id(%barrier3A_37)
    "tpu.region"() ({
      %run_scoped3A = tpu.sem_alloc : memref<!tpu.dma_semaphore, #tpu.memory_space<semaphore_mem>>
      %dma_start3A_38 = arith.constant 0 : i32
      %dma_start3A_39 = tpu.memref_slice %arg6[%arg0, %mul3A_2, %dma_start3A_38] : memref<2x10240x128xf32, #tpu.memory_space<hbm>> -> memref<1x640x128xf32, #tpu.memory_space<hbm>>
      %dma_start3A_40 = tpu.memref_squeeze %dma_start3A_39 : memref<1x640x128xf32, #tpu.memory_space<hbm>> -> memref<640x128xf32, #tpu.memory_space<hbm>>
      %dma_start3A_41 = arith.constant 0 : i32
      %dma_start3A_42 = tpu.memref_slice %arg7[%mul3A_2, %dma_start3A_41] : memref<10240x128xf32, #tpu.memory_space<vmem_shared>> -> memref<640x128xf32, #tpu.memory_space<vmem_shared>>
      tpu.enqueue_dma source(%dma_start3A_42 : memref<640x128xf32, #tpu.memory_space<vmem_shared>>) target(%dma_start3A_40 : memref<640x128xf32, #tpu.memory_space<hbm>>) target_semaphore(%run_scoped3A : memref<!tpu.dma_semaphore, #tpu.memory_space<semaphore_mem>>)
      %dma_wait3A_43 = arith.constant 0 : i32
      %dma_wait3A_44 = tpu.memref_slice %arg6[%arg0, %mul3A_2, %dma_wait3A_43] : memref<2x10240x128xf32, #tpu.memory_space<hbm>> -> memref<1x640x128xf32, #tpu.memory_space<hbm>>
      %dma_wait3A_45 = tpu.memref_squeeze %dma_wait3A_44 : memref<1x640x128xf32, #tpu.memory_space<hbm>> -> memref<640x128xf32, #tpu.memory_space<hbm>>
      %dma_wait3A_46 = arith.constant 0 : i32
      %dma_wait3A_47 = tpu.memref_slice %arg7[%mul3A_2, %dma_wait3A_46] : memref<10240x128xf32, #tpu.memory_space<vmem_shared>> -> memref<640x128xf32, #tpu.memory_space<vmem_shared>>
      tpu.wait_dma2 semaphore(%run_scoped3A : memref<!tpu.dma_semaphore, #tpu.memory_space<semaphore_mem>>) src(%dma_wait3A_47 : memref<640x128xf32, #tpu.memory_space<vmem_shared>>) dst(%dma_wait3A_45 : memref<640x128xf32, #tpu.memory_space<hbm>>)
      tpu.yield
    }) : () -> ()
    return
  }
}

#map = affine_map<(d0, d1) -> (0, 0, 0)>
#map1 = affine_map<(d0, d1) -> (0, 0)>
module attributes {stable_mosaic.version = 14 : i64} {
  func.func @body(%arg0: i32, %arg1: i32, %arg2: memref<32x125x80xi32, #tpu.memory_space<hbm>>, %arg3: memref<80x128xf32, #tpu.memory_space<hbm>>, %arg4: memref<640x128xf32, #tpu.memory_space<hbm>>, %arg5: memref<2x10240x128xf32, #tpu.memory_space<hbm>>, %arg6: memref<10240x128xf32, #tpu.memory_space<vmem_shared>>, %arg7: memref<125x80xi32, #tpu.memory_space<vmem>>, %arg8: memref<80x128xf32, #tpu.memory_space<vmem>>, %arg9: memref<!tpu.dma_semaphore, #tpu.memory_space<semaphore_mem>>) attributes {dimension_semantics = [#tpu.dimension_semantics<core_parallel>, #tpu.dimension_semantics<subcore_parallel>], iteration_bounds = array<i64: 2, 16>, scalar_prefetch = 0 : i64, scratch_operands = 4 : i64, tpu.core_type = #tpu.core_type<sc_vector_subcore>, window_params = [{transform_indices = #map}, {transform_indices = #map1}, {transform_indices = #map1}, {transform_indices = #map}]} {
    %mul3A = arith.constant 2 : i32
    %mul3A_0 = arith.muli %arg1, %mul3A : i32
    %add3A = arith.addi %mul3A_0, %arg0 : i32
    %mul3A_1 = arith.constant 640 : i32
    %mul3A_2 = arith.muli %arg1, %mul3A_1 : i32
    "tpu.region"() ({
      %run_scoped3A = tpu.sem_alloc : memref<!tpu.dma_semaphore, #tpu.memory_space<semaphore_mem>>
      %dma_start3A = arith.constant 0 : i32
      %dma_start3A_15 = tpu.memref_slice %arg6[%mul3A_2, %dma_start3A] : memref<10240x128xf32, #tpu.memory_space<vmem_shared>> -> memref<640x128xf32, #tpu.memory_space<vmem_shared>>
      tpu.enqueue_dma source(%arg4 : memref<640x128xf32, #tpu.memory_space<hbm>>) target(%dma_start3A_15 : memref<640x128xf32, #tpu.memory_space<vmem_shared>>) target_semaphore(%run_scoped3A : memref<!tpu.dma_semaphore, #tpu.memory_space<semaphore_mem>>)
      %dma_wait3A = arith.constant 0 : i32
      %dma_wait3A_16 = tpu.memref_slice %arg6[%mul3A_2, %dma_wait3A] : memref<10240x128xf32, #tpu.memory_space<vmem_shared>> -> memref<640x128xf32, #tpu.memory_space<vmem_shared>>
      tpu.wait_dma2 semaphore(%run_scoped3A : memref<!tpu.dma_semaphore, #tpu.memory_space<semaphore_mem>>) src(%arg4 : memref<640x128xf32, #tpu.memory_space<hbm>>) dst(%dma_wait3A_16 : memref<640x128xf32, #tpu.memory_space<vmem_shared>>)
      tpu.yield
    }) : () -> ()
    "tpu.region"() ({
      %run_scoped3A = tpu.sem_alloc : memref<!tpu.dma_semaphore, #tpu.memory_space<semaphore_mem>>
      tpu.enqueue_dma source(%arg3 : memref<80x128xf32, #tpu.memory_space<hbm>>) target(%arg8 : memref<80x128xf32, #tpu.memory_space<vmem>>) target_semaphore(%run_scoped3A : memref<!tpu.dma_semaphore, #tpu.memory_space<semaphore_mem>>)
      tpu.wait_dma2 semaphore(%run_scoped3A : memref<!tpu.dma_semaphore, #tpu.memory_space<semaphore_mem>>) src(%arg3 : memref<80x128xf32, #tpu.memory_space<hbm>>) dst(%arg8 : memref<80x128xf32, #tpu.memory_space<vmem>>)
      tpu.yield
    }) : () -> ()
    "tpu.region"() ({
      %run_scoped3A = tpu.sem_alloc : memref<!tpu.dma_semaphore, #tpu.memory_space<semaphore_mem>>
      %dma_start3A = arith.constant 0 : i32
      %dma_start3A_15 = arith.constant 0 : i32
      %dma_start3A_16 = tpu.memref_slice %arg2[%add3A, %dma_start3A, %dma_start3A_15] : memref<32x125x80xi32, #tpu.memory_space<hbm>> -> memref<1x125x80xi32, #tpu.memory_space<hbm>>
      %dma_start3A_17 = tpu.memref_squeeze %dma_start3A_16 : memref<1x125x80xi32, #tpu.memory_space<hbm>> -> memref<125x80xi32, #tpu.memory_space<hbm>>
      %dma_start3A_18 = arith.constant 0 : i32
      %dma_start3A_19 = arith.constant 0 : i32
      %dma_start3A_20 = tpu.memref_slice %arg2[%add3A, %dma_start3A_18, %dma_start3A_19] : memref<32x125x80xi32, #tpu.memory_space<hbm>> -> memref<1x125x80xi32, #tpu.memory_space<hbm>>
      %dma_start3A_21 = tpu.memref_squeeze %dma_start3A_20 : memref<1x125x80xi32, #tpu.memory_space<hbm>> -> memref<125x80xi32, #tpu.memory_space<hbm>>
      tpu.enqueue_dma source(%dma_start3A_21 : memref<125x80xi32, #tpu.memory_space<hbm>>) target(%arg7 : memref<125x80xi32, #tpu.memory_space<vmem>>) target_semaphore(%run_scoped3A : memref<!tpu.dma_semaphore, #tpu.memory_space<semaphore_mem>>)
      %dma_wait3A = arith.constant 0 : i32
      %dma_wait3A_22 = arith.constant 0 : i32
      %dma_wait3A_23 = tpu.memref_slice %arg2[%add3A, %dma_wait3A, %dma_wait3A_22] : memref<32x125x80xi32, #tpu.memory_space<hbm>> -> memref<1x125x80xi32, #tpu.memory_space<hbm>>
      %dma_wait3A_24 = tpu.memref_squeeze %dma_wait3A_23 : memref<1x125x80xi32, #tpu.memory_space<hbm>> -> memref<125x80xi32, #tpu.memory_space<hbm>>
      %dma_wait3A_25 = arith.constant 0 : i32
      %dma_wait3A_26 = arith.constant 0 : i32
      %dma_wait3A_27 = tpu.memref_slice %arg2[%add3A, %dma_wait3A_25, %dma_wait3A_26] : memref<32x125x80xi32, #tpu.memory_space<hbm>> -> memref<1x125x80xi32, #tpu.memory_space<hbm>>
      %dma_wait3A_28 = tpu.memref_squeeze %dma_wait3A_27 : memref<1x125x80xi32, #tpu.memory_space<hbm>> -> memref<125x80xi32, #tpu.memory_space<hbm>>
      tpu.wait_dma2 semaphore(%run_scoped3A : memref<!tpu.dma_semaphore, #tpu.memory_space<semaphore_mem>>) src(%dma_wait3A_28 : memref<125x80xi32, #tpu.memory_space<hbm>>) dst(%arg7 : memref<125x80xi32, #tpu.memory_space<vmem>>)
      tpu.yield
    }) : () -> ()
    %barrier3A = arith.constant 0 : index
    tpu.barrier barrier_id(%barrier3A)
    %scan3A = arith.constant 0 : i32
    %scan3A_3 = arith.constant 0 : i32
    %scan3A_4 = arith.constant 125 : i32
    %scan3A_5 = arith.addi %scan3A_3, %scan3A_4 : i32
    %scan3A_6 = arith.constant 1 : i32
    scf.for %scan3A_15 = %scan3A_3 to %scan3A_5 step %scan3A_6  : i32 {
      %dma_start3A = arith.constant 0 : i32
      %dma_start3A_16 = tpu.memref_slice %arg7[%scan3A_15, %dma_start3A] : memref<125x80xi32, #tpu.memory_space<vmem>> -> memref<1x80xi32, #tpu.memory_space<vmem>>
      %dma_start3A_17 = tpu.memref_squeeze %dma_start3A_16 : memref<1x80xi32, #tpu.memory_space<vmem>> -> memref<80xi32, #tpu.memory_space<vmem>>
      %dma_start3A_18 = arith.constant 0 : i32
      %dma_start3A_19 = arith.constant 0 : i32
      %dma_start3A_20 = tpu.memref_slice %arg6[%dma_start3A_18, %dma_start3A_19] : memref<10240x128xf32, #tpu.memory_space<vmem_shared>> -> memref<10240x128xf32, #tpu.memory_space<vmem_shared>>
      tpu.enqueue_indirect_dma source(%arg8 : memref<80x128xf32, #tpu.memory_space<vmem>>) target(%dma_start3A_20 : memref<10240x128xf32, #tpu.memory_space<vmem_shared>>) offsets(%dma_start3A_17 : memref<80xi32, #tpu.memory_space<vmem>>) semaphore(%arg9 : memref<!tpu.dma_semaphore, #tpu.memory_space<semaphore_mem>>) {add = true}
    }
    %scan3A_7 = arith.constant 125 : i32
    %scan3A_8 = arith.constant 0 : i32
    %scan3A_9 = arith.constant 0 : i32
    %scan3A_10 = arith.constant 125 : i32
    %scan3A_11 = arith.addi %scan3A_9, %scan3A_10 : i32
    %scan3A_12 = arith.constant 1 : i32
    scf.for %scan3A_15 = %scan3A_9 to %scan3A_11 step %scan3A_12  : i32 {
      %dma_wait3A = arith.constant 0 : i32
      %dma_wait3A_16 = tpu.memref_slice %arg7[%scan3A_15, %dma_wait3A] : memref<125x80xi32, #tpu.memory_space<vmem>> -> memref<1x80xi32, #tpu.memory_space<vmem>>
      %dma_wait3A_17 = tpu.memref_squeeze %dma_wait3A_16 : memref<1x80xi32, #tpu.memory_space<vmem>> -> memref<80xi32, #tpu.memory_space<vmem>>
      %dma_wait3A_18 = arith.constant 0 : i32
      %dma_wait3A_19 = arith.constant 0 : i32
      %dma_wait3A_20 = tpu.memref_slice %arg6[%dma_wait3A_18, %dma_wait3A_19] : memref<10240x128xf32, #tpu.memory_space<vmem_shared>> -> memref<10240x128xf32, #tpu.memory_space<vmem_shared>>
      tpu.wait_indirect_dma semaphore(%arg9 : memref<!tpu.dma_semaphore, #tpu.memory_space<semaphore_mem>>) src(%arg8 : memref<80x128xf32, #tpu.memory_space<vmem>>) dst(%dma_wait3A_20 : memref<10240x128xf32, #tpu.memory_space<vmem_shared>>)
    }
    %scan3A_13 = arith.constant 125 : i32
    %barrier3A_14 = arith.constant 0 : index
    tpu.barrier barrier_id(%barrier3A_14)
    "tpu.region"() ({
      %run_scoped3A = tpu.sem_alloc : memref<!tpu.dma_semaphore, #tpu.memory_space<semaphore_mem>>
      %dma_start3A = arith.constant 0 : i32
      %dma_start3A_15 = tpu.memref_slice %arg5[%arg0, %mul3A_2, %dma_start3A] : memref<2x10240x128xf32, #tpu.memory_space<hbm>> -> memref<1x640x128xf32, #tpu.memory_space<hbm>>
      %dma_start3A_16 = tpu.memref_squeeze %dma_start3A_15 : memref<1x640x128xf32, #tpu.memory_space<hbm>> -> memref<640x128xf32, #tpu.memory_space<hbm>>
      %dma_start3A_17 = arith.constant 0 : i32
      %dma_start3A_18 = tpu.memref_slice %arg6[%mul3A_2, %dma_start3A_17] : memref<10240x128xf32, #tpu.memory_space<vmem_shared>> -> memref<640x128xf32, #tpu.memory_space<vmem_shared>>
      tpu.enqueue_dma source(%dma_start3A_18 : memref<640x128xf32, #tpu.memory_space<vmem_shared>>) target(%dma_start3A_16 : memref<640x128xf32, #tpu.memory_space<hbm>>) target_semaphore(%run_scoped3A : memref<!tpu.dma_semaphore, #tpu.memory_space<semaphore_mem>>)
      %dma_wait3A = arith.constant 0 : i32
      %dma_wait3A_19 = tpu.memref_slice %arg5[%arg0, %mul3A_2, %dma_wait3A] : memref<2x10240x128xf32, #tpu.memory_space<hbm>> -> memref<1x640x128xf32, #tpu.memory_space<hbm>>
      %dma_wait3A_20 = tpu.memref_squeeze %dma_wait3A_19 : memref<1x640x128xf32, #tpu.memory_space<hbm>> -> memref<640x128xf32, #tpu.memory_space<hbm>>
      %dma_wait3A_21 = arith.constant 0 : i32
      %dma_wait3A_22 = tpu.memref_slice %arg6[%mul3A_2, %dma_wait3A_21] : memref<10240x128xf32, #tpu.memory_space<vmem_shared>> -> memref<640x128xf32, #tpu.memory_space<vmem_shared>>
      tpu.wait_dma2 semaphore(%run_scoped3A : memref<!tpu.dma_semaphore, #tpu.memory_space<semaphore_mem>>) src(%dma_wait3A_22 : memref<640x128xf32, #tpu.memory_space<vmem_shared>>) dst(%dma_wait3A_20 : memref<640x128xf32, #tpu.memory_space<hbm>>)
      tpu.yield
    }) : () -> ()
    return
  }
}

#map = affine_map<(d0, d1) -> (0, 0)>
#map1 = affine_map<(d0, d1) -> (0)>
#map2 = affine_map<(d0, d1) -> (0, 0, 0)>
module attributes {stable_mosaic.version = 14 : i64} {
  func.func @body(%arg0: i32, %arg1: i32, %arg2: memref<10000x128xf32, #tpu.memory_space<hbm>>, %arg3: memref<320000xi32, #tpu.memory_space<hbm>>, %arg4: memref<32x125x80xi32, #tpu.memory_space<hbm>>, %arg5: memref<640x128xf32, #tpu.memory_space<hbm>>, %arg6: memref<2x10240x128xf32, #tpu.memory_space<hbm>>, %arg7: memref<10240x128xf32, #tpu.memory_space<vmem_shared>>, %arg8: memref<10000xi32, #tpu.memory_space<vmem>>, %arg9: memref<125x80xi32, #tpu.memory_space<vmem>>, %arg10: memref<80x128xf32, #tpu.memory_space<vmem>>, %arg11: memref<80x128xf32, #tpu.memory_space<vmem>>, %arg12: memref<!tpu.dma_semaphore, #tpu.memory_space<semaphore_mem>>, %arg13: memref<!tpu.dma_semaphore, #tpu.memory_space<semaphore_mem>>) attributes {dimension_semantics = [#tpu.dimension_semantics<core_parallel>, #tpu.dimension_semantics<subcore_parallel>], iteration_bounds = array<i64: 2, 16>, scalar_prefetch = 0 : i64, scratch_operands = 7 : i64, tpu.core_type = #tpu.core_type<sc_vector_subcore>, window_params = [{transform_indices = #map}, {transform_indices = #map1}, {transform_indices = #map2}, {transform_indices = #map}, {transform_indices = #map2}]} {
    %mul3A = arith.constant 2 : i32
    %mul3A_0 = arith.muli %arg1, %mul3A : i32
    %add3A = arith.addi %mul3A_0, %arg0 : i32
    %mul3A_1 = arith.constant 640 : i32
    %mul3A_2 = arith.muli %arg1, %mul3A_1 : i32
    "tpu.region"() ({
      %run_scoped3A = tpu.sem_alloc : memref<!tpu.dma_semaphore, #tpu.memory_space<semaphore_mem>>
      %dma_start3A_38 = arith.constant 0 : i32
      %dma_start3A_39 = tpu.memref_slice %arg7[%mul3A_2, %dma_start3A_38] : memref<10240x128xf32, #tpu.memory_space<vmem_shared>> -> memref<640x128xf32, #tpu.memory_space<vmem_shared>>
      tpu.enqueue_dma source(%arg5 : memref<640x128xf32, #tpu.memory_space<hbm>>) target(%dma_start3A_39 : memref<640x128xf32, #tpu.memory_space<vmem_shared>>) target_semaphore(%run_scoped3A : memref<!tpu.dma_semaphore, #tpu.memory_space<semaphore_mem>>)
      %dma_wait3A_40 = arith.constant 0 : i32
      %dma_wait3A_41 = tpu.memref_slice %arg7[%mul3A_2, %dma_wait3A_40] : memref<10240x128xf32, #tpu.memory_space<vmem_shared>> -> memref<640x128xf32, #tpu.memory_space<vmem_shared>>
      tpu.wait_dma2 semaphore(%run_scoped3A : memref<!tpu.dma_semaphore, #tpu.memory_space<semaphore_mem>>) src(%arg5 : memref<640x128xf32, #tpu.memory_space<hbm>>) dst(%dma_wait3A_41 : memref<640x128xf32, #tpu.memory_space<vmem_shared>>)
      tpu.yield
    }) : () -> ()
    %mul3A_3 = arith.constant 10000 : i32
    %mul3A_4 = arith.muli %add3A, %mul3A_3 : i32
    "tpu.region"() ({
      %run_scoped3A = tpu.sem_alloc : memref<!tpu.dma_semaphore, #tpu.memory_space<semaphore_mem>>
      %dma_start3A_38 = tpu.memref_slice %arg3[%mul3A_4] : memref<320000xi32, #tpu.memory_space<hbm>> -> memref<10000xi32, #tpu.memory_space<hbm>>
      %dma_start3A_39 = tpu.memref_slice %arg3[%mul3A_4] : memref<320000xi32, #tpu.memory_space<hbm>> -> memref<10000xi32, #tpu.memory_space<hbm>>
      tpu.enqueue_dma source(%dma_start3A_39 : memref<10000xi32, #tpu.memory_space<hbm>>) target(%arg8 : memref<10000xi32, #tpu.memory_space<vmem>>) target_semaphore(%run_scoped3A : memref<!tpu.dma_semaphore, #tpu.memory_space<semaphore_mem>>)
      %dma_wait3A_40 = tpu.memref_slice %arg3[%mul3A_4] : memref<320000xi32, #tpu.memory_space<hbm>> -> memref<10000xi32, #tpu.memory_space<hbm>>
      %dma_wait3A_41 = tpu.memref_slice %arg3[%mul3A_4] : memref<320000xi32, #tpu.memory_space<hbm>> -> memref<10000xi32, #tpu.memory_space<hbm>>
      tpu.wait_dma2 semaphore(%run_scoped3A : memref<!tpu.dma_semaphore, #tpu.memory_space<semaphore_mem>>) src(%dma_wait3A_41 : memref<10000xi32, #tpu.memory_space<hbm>>) dst(%arg8 : memref<10000xi32, #tpu.memory_space<vmem>>)
      tpu.yield
    }) : () -> ()
    "tpu.region"() ({
      %run_scoped3A = tpu.sem_alloc : memref<!tpu.dma_semaphore, #tpu.memory_space<semaphore_mem>>
      %dma_start3A_38 = arith.constant 0 : i32
      %dma_start3A_39 = arith.constant 0 : i32
      %dma_start3A_40 = tpu.memref_slice %arg4[%add3A, %dma_start3A_38, %dma_start3A_39] : memref<32x125x80xi32, #tpu.memory_space<hbm>> -> memref<1x125x80xi32, #tpu.memory_space<hbm>>
      %dma_start3A_41 = tpu.memref_squeeze %dma_start3A_40 : memref<1x125x80xi32, #tpu.memory_space<hbm>> -> memref<125x80xi32, #tpu.memory_space<hbm>>
      %dma_start3A_42 = arith.constant 0 : i32
      %dma_start3A_43 = arith.constant 0 : i32
      %dma_start3A_44 = tpu.memref_slice %arg4[%add3A, %dma_start3A_42, %dma_start3A_43] : memref<32x125x80xi32, #tpu.memory_space<hbm>> -> memref<1x125x80xi32, #tpu.memory_space<hbm>>
      %dma_start3A_45 = tpu.memref_squeeze %dma_start3A_44 : memref<1x125x80xi32, #tpu.memory_space<hbm>> -> memref<125x80xi32, #tpu.memory_space<hbm>>
      tpu.enqueue_dma source(%dma_start3A_45 : memref<125x80xi32, #tpu.memory_space<hbm>>) target(%arg9 : memref<125x80xi32, #tpu.memory_space<vmem>>) target_semaphore(%run_scoped3A : memref<!tpu.dma_semaphore, #tpu.memory_space<semaphore_mem>>)
      %dma_wait3A_46 = arith.constant 0 : i32
      %dma_wait3A_47 = arith.constant 0 : i32
      %dma_wait3A_48 = tpu.memref_slice %arg4[%add3A, %dma_wait3A_46, %dma_wait3A_47] : memref<32x125x80xi32, #tpu.memory_space<hbm>> -> memref<1x125x80xi32, #tpu.memory_space<hbm>>
      %dma_wait3A_49 = tpu.memref_squeeze %dma_wait3A_48 : memref<1x125x80xi32, #tpu.memory_space<hbm>> -> memref<125x80xi32, #tpu.memory_space<hbm>>
      %dma_wait3A_50 = arith.constant 0 : i32
      %dma_wait3A_51 = arith.constant 0 : i32
      %dma_wait3A_52 = tpu.memref_slice %arg4[%add3A, %dma_wait3A_50, %dma_wait3A_51] : memref<32x125x80xi32, #tpu.memory_space<hbm>> -> memref<1x125x80xi32, #tpu.memory_space<hbm>>
      %dma_wait3A_53 = tpu.memref_squeeze %dma_wait3A_52 : memref<1x125x80xi32, #tpu.memory_space<hbm>> -> memref<125x80xi32, #tpu.memory_space<hbm>>
      tpu.wait_dma2 semaphore(%run_scoped3A : memref<!tpu.dma_semaphore, #tpu.memory_space<semaphore_mem>>) src(%dma_wait3A_53 : memref<125x80xi32, #tpu.memory_space<hbm>>) dst(%arg9 : memref<125x80xi32, #tpu.memory_space<vmem>>)
      tpu.yield
    }) : () -> ()
    %barrier3A = arith.constant 0 : index
    tpu.barrier barrier_id(%barrier3A)
    %dma_start3A = arith.constant 0 : i32
    %dma_start3A_5 = tpu.memref_slice %arg8[%dma_start3A] : memref<10000xi32, #tpu.memory_space<vmem>> -> memref<80xi32, #tpu.memory_space<vmem>>
    %dma_start3A_6 = arith.constant 0 : i32
    %dma_start3A_7 = arith.constant 0 : i32
    %dma_start3A_8 = tpu.memref_slice %arg2[%dma_start3A_6, %dma_start3A_7] : memref<10000x128xf32, #tpu.memory_space<hbm>> -> memref<10000x128xf32, #tpu.memory_space<hbm>>
    tpu.enqueue_indirect_dma source(%dma_start3A_8 : memref<10000x128xf32, #tpu.memory_space<hbm>>) target(%arg10 : memref<80x128xf32, #tpu.memory_space<vmem>>) offsets(%dma_start3A_5 : memref<80xi32, #tpu.memory_space<vmem>>) semaphore(%arg12 : memref<!tpu.dma_semaphore, #tpu.memory_space<semaphore_mem>>)
    %dma_start3A_9 = arith.constant 80 : i32
    %dma_start3A_10 = tpu.memref_slice %arg8[%dma_start3A_9] : memref<10000xi32, #tpu.memory_space<vmem>> -> memref<80xi32, #tpu.memory_space<vmem>>
    %dma_start3A_11 = arith.constant 0 : i32
    %dma_start3A_12 = arith.constant 0 : i32
    %dma_start3A_13 = tpu.memref_slice %arg2[%dma_start3A_11, %dma_start3A_12] : memref<10000x128xf32, #tpu.memory_space<hbm>> -> memref<10000x128xf32, #tpu.memory_space<hbm>>
    tpu.enqueue_indirect_dma source(%dma_start3A_13 : memref<10000x128xf32, #tpu.memory_space<hbm>>) target(%arg11 : memref<80x128xf32, #tpu.memory_space<vmem>>) offsets(%dma_start3A_10 : memref<80xi32, #tpu.memory_space<vmem>>) semaphore(%arg13 : memref<!tpu.dma_semaphore, #tpu.memory_space<semaphore_mem>>)
    %scan3A = arith.constant 0 : i32
    %scan3A_14 = arith.constant 0 : i32
    %scan3A_15 = arith.constant 62 : i32
    %scan3A_16 = arith.addi %scan3A_14, %scan3A_15 : i32
    %scan3A_17 = arith.constant 1 : i32
    scf.for %scan3A_38 = %scan3A_14 to %scan3A_16 step %scan3A_17  : i32 {
      %mul3A_39 = arith.constant 2 : i32
      %mul3A_40 = arith.muli %scan3A_38, %mul3A_39 : i32
      %add3A_41 = arith.constant 1 : i32
      %add3A_42 = arith.addi %mul3A_40, %add3A_41 : i32
      %mul3A_43 = arith.constant 80 : i32
      %mul3A_44 = arith.muli %mul3A_40, %mul3A_43 : i32
      %dma_wait3A_45 = tpu.memref_slice %arg8[%mul3A_44] : memref<10000xi32, #tpu.memory_space<vmem>> -> memref<80xi32, #tpu.memory_space<vmem>>
      %dma_wait3A_46 = arith.constant 0 : i32
      %dma_wait3A_47 = arith.constant 0 : i32
      %dma_wait3A_48 = tpu.memref_slice %arg2[%dma_wait3A_46, %dma_wait3A_47] : memref<10000x128xf32, #tpu.memory_space<hbm>> -> memref<10000x128xf32, #tpu.memory_space<hbm>>
      tpu.wait_indirect_dma semaphore(%arg12 : memref<!tpu.dma_semaphore, #tpu.memory_space<semaphore_mem>>) src(%dma_wait3A_48 : memref<10000x128xf32, #tpu.memory_space<hbm>>) dst(%arg10 : memref<80x128xf32, #tpu.memory_space<vmem>>)
      %dma_start3A_49 = arith.constant 0 : i32
      %dma_start3A_50 = tpu.memref_slice %arg9[%mul3A_40, %dma_start3A_49] : memref<125x80xi32, #tpu.memory_space<vmem>> -> memref<1x80xi32, #tpu.memory_space<vmem>>
      %dma_start3A_51 = tpu.memref_squeeze %dma_start3A_50 : memref<1x80xi32, #tpu.memory_space<vmem>> -> memref<80xi32, #tpu.memory_space<vmem>>
      %dma_start3A_52 = arith.constant 0 : i32
      %dma_start3A_53 = arith.constant 0 : i32
      %dma_start3A_54 = tpu.memref_slice %arg7[%dma_start3A_52, %dma_start3A_53] : memref<10240x128xf32, #tpu.memory_space<vmem_shared>> -> memref<10240x128xf32, #tpu.memory_space<vmem_shared>>
      tpu.enqueue_indirect_dma source(%arg10 : memref<80x128xf32, #tpu.memory_space<vmem>>) target(%dma_start3A_54 : memref<10240x128xf32, #tpu.memory_space<vmem_shared>>) offsets(%dma_start3A_51 : memref<80xi32, #tpu.memory_space<vmem>>) semaphore(%arg12 : memref<!tpu.dma_semaphore, #tpu.memory_space<semaphore_mem>>) {add = true}
      %mul3A_55 = arith.constant 80 : i32
      %mul3A_56 = arith.muli %add3A_42, %mul3A_55 : i32
      %dma_wait3A_57 = tpu.memref_slice %arg8[%mul3A_56] : memref<10000xi32, #tpu.memory_space<vmem>> -> memref<80xi32, #tpu.memory_space<vmem>>
      %dma_wait3A_58 = arith.constant 0 : i32
      %dma_wait3A_59 = arith.constant 0 : i32
      %dma_wait3A_60 = tpu.memref_slice %arg2[%dma_wait3A_58, %dma_wait3A_59] : memref<10000x128xf32, #tpu.memory_space<hbm>> -> memref<10000x128xf32, #tpu.memory_space<hbm>>
      tpu.wait_indirect_dma semaphore(%arg13 : memref<!tpu.dma_semaphore, #tpu.memory_space<semaphore_mem>>) src(%dma_wait3A_60 : memref<10000x128xf32, #tpu.memory_space<hbm>>) dst(%arg11 : memref<80x128xf32, #tpu.memory_space<vmem>>)
      %dma_start3A_61 = arith.constant 0 : i32
      %dma_start3A_62 = tpu.memref_slice %arg9[%add3A_42, %dma_start3A_61] : memref<125x80xi32, #tpu.memory_space<vmem>> -> memref<1x80xi32, #tpu.memory_space<vmem>>
      %dma_start3A_63 = tpu.memref_squeeze %dma_start3A_62 : memref<1x80xi32, #tpu.memory_space<vmem>> -> memref<80xi32, #tpu.memory_space<vmem>>
      %dma_start3A_64 = arith.constant 0 : i32
      %dma_start3A_65 = arith.constant 0 : i32
      %dma_start3A_66 = tpu.memref_slice %arg7[%dma_start3A_64, %dma_start3A_65] : memref<10240x128xf32, #tpu.memory_space<vmem_shared>> -> memref<10240x128xf32, #tpu.memory_space<vmem_shared>>
      tpu.enqueue_indirect_dma source(%arg11 : memref<80x128xf32, #tpu.memory_space<vmem>>) target(%dma_start3A_66 : memref<10240x128xf32, #tpu.memory_space<vmem_shared>>) offsets(%dma_start3A_63 : memref<80xi32, #tpu.memory_space<vmem>>) semaphore(%arg13 : memref<!tpu.dma_semaphore, #tpu.memory_space<semaphore_mem>>) {add = true}
      %dma_wait3A_67 = arith.constant 0 : i32
      %dma_wait3A_68 = tpu.memref_slice %arg9[%mul3A_40, %dma_wait3A_67] : memref<125x80xi32, #tpu.memory_space<vmem>> -> memref<1x80xi32, #tpu.memory_space<vmem>>
      %dma_wait3A_69 = tpu.memref_squeeze %dma_wait3A_68 : memref<1x80xi32, #tpu.memory_space<vmem>> -> memref<80xi32, #tpu.memory_space<vmem>>
      %dma_wait3A_70 = arith.constant 0 : i32
      %dma_wait3A_71 = arith.constant 0 : i32
      %dma_wait3A_72 = tpu.memref_slice %arg7[%dma_wait3A_70, %dma_wait3A_71] : memref<10240x128xf32, #tpu.memory_space<vmem_shared>> -> memref<10240x128xf32, #tpu.memory_space<vmem_shared>>
      tpu.wait_indirect_dma semaphore(%arg12 : memref<!tpu.dma_semaphore, #tpu.memory_space<semaphore_mem>>) src(%arg10 : memref<80x128xf32, #tpu.memory_space<vmem>>) dst(%dma_wait3A_72 : memref<10240x128xf32, #tpu.memory_space<vmem_shared>>)
      %add3A_73 = arith.constant 2 : i32
      %add3A_74 = arith.addi %mul3A_40, %add3A_73 : i32
      %lt3A = arith.constant 125 : i32
      %lt3A_75 = arith.cmpi slt, %add3A_74, %lt3A : i32
      %convert_element_type3A = arith.extui %lt3A_75 : i1 to i32
      %cond3A = arith.constant 0 : i32
      %cond3A_76 = arith.cmpi ne, %convert_element_type3A, %cond3A : i32
      scf.if %cond3A_76 {
        %add3A_90 = arith.constant 2 : i32
        %add3A_91 = arith.addi %mul3A_40, %add3A_90 : i32
        %mul3A_92 = arith.constant 80 : i32
        %mul3A_93 = arith.muli %add3A_91, %mul3A_92 : i32
        %dma_start3A_94 = tpu.memref_slice %arg8[%mul3A_93] : memref<10000xi32, #tpu.memory_space<vmem>> -> memref<80xi32, #tpu.memory_space<vmem>>
        %dma_start3A_95 = arith.constant 0 : i32
        %dma_start3A_96 = arith.constant 0 : i32
        %dma_start3A_97 = tpu.memref_slice %arg2[%dma_start3A_95, %dma_start3A_96] : memref<10000x128xf32, #tpu.memory_space<hbm>> -> memref<10000x128xf32, #tpu.memory_space<hbm>>
        tpu.enqueue_indirect_dma source(%dma_start3A_97 : memref<10000x128xf32, #tpu.memory_space<hbm>>) target(%arg10 : memref<80x128xf32, #tpu.memory_space<vmem>>) offsets(%dma_start3A_94 : memref<80xi32, #tpu.memory_space<vmem>>) semaphore(%arg12 : memref<!tpu.dma_semaphore, #tpu.memory_space<semaphore_mem>>)
      } else {
      }
      %dma_wait3A_77 = arith.constant 0 : i32
      %dma_wait3A_78 = tpu.memref_slice %arg9[%add3A_42, %dma_wait3A_77] : memref<125x80xi32, #tpu.memory_space<vmem>> -> memref<1x80xi32, #tpu.memory_space<vmem>>
      %dma_wait3A_79 = tpu.memref_squeeze %dma_wait3A_78 : memref<1x80xi32, #tpu.memory_space<vmem>> -> memref<80xi32, #tpu.memory_space<vmem>>
      %dma_wait3A_80 = arith.constant 0 : i32
      %dma_wait3A_81 = arith.constant 0 : i32
      %dma_wait3A_82 = tpu.memref_slice %arg7[%dma_wait3A_80, %dma_wait3A_81] : memref<10240x128xf32, #tpu.memory_space<vmem_shared>> -> memref<10240x128xf32, #tpu.memory_space<vmem_shared>>
      tpu.wait_indirect_dma semaphore(%arg13 : memref<!tpu.dma_semaphore, #tpu.memory_space<semaphore_mem>>) src(%arg11 : memref<80x128xf32, #tpu.memory_space<vmem>>) dst(%dma_wait3A_82 : memref<10240x128xf32, #tpu.memory_space<vmem_shared>>)
      %add3A_83 = arith.constant 2 : i32
      %add3A_84 = arith.addi %add3A_42, %add3A_83 : i32
      %lt3A_85 = arith.constant 125 : i32
      %lt3A_86 = arith.cmpi slt, %add3A_84, %lt3A_85 : i32
      %convert_element_type3A_87 = arith.extui %lt3A_86 : i1 to i32
      %cond3A_88 = arith.constant 0 : i32
      %cond3A_89 = arith.cmpi ne, %convert_element_type3A_87, %cond3A_88 : i32
      scf.if %cond3A_89 {
        %add3A_90 = arith.constant 2 : i32
        %add3A_91 = arith.addi %add3A_42, %add3A_90 : i32
        %mul3A_92 = arith.constant 80 : i32
        %mul3A_93 = arith.muli %add3A_91, %mul3A_92 : i32
        %dma_start3A_94 = tpu.memref_slice %arg8[%mul3A_93] : memref<10000xi32, #tpu.memory_space<vmem>> -> memref<80xi32, #tpu.memory_space<vmem>>
        %dma_start3A_95 = arith.constant 0 : i32
        %dma_start3A_96 = arith.constant 0 : i32
        %dma_start3A_97 = tpu.memref_slice %arg2[%dma_start3A_95, %dma_start3A_96] : memref<10000x128xf32, #tpu.memory_space<hbm>> -> memref<10000x128xf32, #tpu.memory_space<hbm>>
        tpu.enqueue_indirect_dma source(%dma_start3A_97 : memref<10000x128xf32, #tpu.memory_space<hbm>>) target(%arg11 : memref<80x128xf32, #tpu.memory_space<vmem>>) offsets(%dma_start3A_94 : memref<80xi32, #tpu.memory_space<vmem>>) semaphore(%arg13 : memref<!tpu.dma_semaphore, #tpu.memory_space<semaphore_mem>>)
      } else {
      }
    }
    %scan3A_18 = arith.constant 62 : i32
    %dma_wait3A = arith.constant 9920 : i32
    %dma_wait3A_19 = tpu.memref_slice %arg8[%dma_wait3A] : memref<10000xi32, #tpu.memory_space<vmem>> -> memref<80xi32, #tpu.memory_space<vmem>>
    %dma_wait3A_20 = arith.constant 0 : i32
    %dma_wait3A_21 = arith.constant 0 : i32
    %dma_wait3A_22 = tpu.memref_slice %arg2[%dma_wait3A_20, %dma_wait3A_21] : memref<10000x128xf32, #tpu.memory_space<hbm>> -> memref<10000x128xf32, #tpu.memory_space<hbm>>
    tpu.wait_indirect_dma semaphore(%arg12 : memref<!tpu.dma_semaphore, #tpu.memory_space<semaphore_mem>>) src(%dma_wait3A_22 : memref<10000x128xf32, #tpu.memory_space<hbm>>) dst(%arg10 : memref<80x128xf32, #tpu.memory_space<vmem>>)
    %dma_start3A_23 = arith.constant 124 : i32
    %dma_start3A_24 = arith.constant 0 : i32
    %dma_start3A_25 = tpu.memref_slice %arg9[%dma_start3A_23, %dma_start3A_24] : memref<125x80xi32, #tpu.memory_space<vmem>> -> memref<1x80xi32, #tpu.memory_space<vmem>>
    %dma_start3A_26 = tpu.memref_squeeze %dma_start3A_25 : memref<1x80xi32, #tpu.memory_space<vmem>> -> memref<80xi32, #tpu.memory_space<vmem>>
    %dma_start3A_27 = arith.constant 0 : i32
    %dma_start3A_28 = arith.constant 0 : i32
    %dma_start3A_29 = tpu.memref_slice %arg7[%dma_start3A_27, %dma_start3A_28] : memref<10240x128xf32, #tpu.memory_space<vmem_shared>> -> memref<10240x128xf32, #tpu.memory_space<vmem_shared>>
    tpu.enqueue_indirect_dma source(%arg10 : memref<80x128xf32, #tpu.memory_space<vmem>>) target(%dma_start3A_29 : memref<10240x128xf32, #tpu.memory_space<vmem_shared>>) offsets(%dma_start3A_26 : memref<80xi32, #tpu.memory_space<vmem>>) semaphore(%arg12 : memref<!tpu.dma_semaphore, #tpu.memory_space<semaphore_mem>>) {add = true}
    %dma_wait3A_30 = arith.constant 124 : i32
    %dma_wait3A_31 = arith.constant 0 : i32
    %dma_wait3A_32 = tpu.memref_slice %arg9[%dma_wait3A_30, %dma_wait3A_31] : memref<125x80xi32, #tpu.memory_space<vmem>> -> memref<1x80xi32, #tpu.memory_space<vmem>>
    %dma_wait3A_33 = tpu.memref_squeeze %dma_wait3A_32 : memref<1x80xi32, #tpu.memory_space<vmem>> -> memref<80xi32, #tpu.memory_space<vmem>>
    %dma_wait3A_34 = arith.constant 0 : i32
    %dma_wait3A_35 = arith.constant 0 : i32
    %dma_wait3A_36 = tpu.memref_slice %arg7[%dma_wait3A_34, %dma_wait3A_35] : memref<10240x128xf32, #tpu.memory_space<vmem_shared>> -> memref<10240x128xf32, #tpu.memory_space<vmem_shared>>
    tpu.wait_indirect_dma semaphore(%arg12 : memref<!tpu.dma_semaphore, #tpu.memory_space<semaphore_mem>>) src(%arg10 : memref<80x128xf32, #tpu.memory_space<vmem>>) dst(%dma_wait3A_36 : memref<10240x128xf32, #tpu.memory_space<vmem_shared>>)
    %barrier3A_37 = arith.constant 0 : index
    tpu.barrier barrier_id(%barrier3A_37)
    "tpu.region"() ({
      %run_scoped3A = tpu.sem_alloc : memref<!tpu.dma_semaphore, #tpu.memory_space<semaphore_mem>>
      %dma_start3A_38 = arith.constant 0 : i32
      %dma_start3A_39 = tpu.memref_slice %arg6[%arg0, %mul3A_2, %dma_start3A_38] : memref<2x10240x128xf32, #tpu.memory_space<hbm>> -> memref<1x640x128xf32, #tpu.memory_space<hbm>>
      %dma_start3A_40 = tpu.memref_squeeze %dma_start3A_39 : memref<1x640x128xf32, #tpu.memory_space<hbm>> -> memref<640x128xf32, #tpu.memory_space<hbm>>
      %dma_start3A_41 = arith.constant 0 : i32
      %dma_start3A_42 = tpu.memref_slice %arg7[%mul3A_2, %dma_start3A_41] : memref<10240x128xf32, #tpu.memory_space<vmem_shared>> -> memref<640x128xf32, #tpu.memory_space<vmem_shared>>
      tpu.enqueue_dma source(%dma_start3A_42 : memref<640x128xf32, #tpu.memory_space<vmem_shared>>) target(%dma_start3A_40 : memref<640x128xf32, #tpu.memory_space<hbm>>) target_semaphore(%run_scoped3A : memref<!tpu.dma_semaphore, #tpu.memory_space<semaphore_mem>>)
      %dma_wait3A_43 = arith.constant 0 : i32
      %dma_wait3A_44 = tpu.memref_slice %arg6[%arg0, %mul3A_2, %dma_wait3A_43] : memref<2x10240x128xf32, #tpu.memory_space<hbm>> -> memref<1x640x128xf32, #tpu.memory_space<hbm>>
      %dma_wait3A_45 = tpu.memref_squeeze %dma_wait3A_44 : memref<1x640x128xf32, #tpu.memory_space<hbm>> -> memref<640x128xf32, #tpu.memory_space<hbm>>
      %dma_wait3A_46 = arith.constant 0 : i32
      %dma_wait3A_47 = tpu.memref_slice %arg7[%mul3A_2, %dma_wait3A_46] : memref<10240x128xf32, #tpu.memory_space<vmem_shared>> -> memref<640x128xf32, #tpu.memory_space<vmem_shared>>
      tpu.wait_dma2 semaphore(%run_scoped3A : memref<!tpu.dma_semaphore, #tpu.memory_space<semaphore_mem>>) src(%dma_wait3A_47 : memref<640x128xf32, #tpu.memory_space<vmem_shared>>) dst(%dma_wait3A_45 : memref<640x128xf32, #tpu.memory_space<hbm>>)
      tpu.yield
    }) : () -> ()
    return
  }
}

module attributes {stable_mosaic.version = 14 : i64} {
  func.func @body(%arg0: i32, %arg1: memref<2x1000x128xf32, #tpu.memory_space<vmem>>, %arg2: memref<2x1000x128xf32, #tpu.memory_space<vmem>>, %arg3: memref<1000x128xf32, #tpu.memory_space<vmem>>, %arg4: memref<128x128xf32, #tpu.memory_space<vmem>>, %arg5: memref<128x128xf32, #tpu.memory_space<vmem>>, %arg6: memref<1x128xf32, #tpu.memory_space<vmem>>, %arg7: memref<1000x128xf32, #tpu.memory_space<vmem>>) attributes {dimension_semantics = [#tpu.dimension_semantics<arbitrary>], iteration_bounds = array<i64: 10>, scalar_prefetch = 0 : i64, scratch_operands = 0 : i64, tpu.core_type = #tpu.core_type<tc>, window_params = [{transform_indices = @transform_0, window_bounds = array<i64: 2, 1000, 128>}, {transform_indices = @transform_1, window_bounds = array<i64: 2, 1000, 128>}, {transform_indices = @transform_2, window_bounds = array<i64: 1000, 128>}, {pipeline_mode = #tpu.pipeline_mode<synchronous>, transform_indices = @transform_3, window_bounds = array<i64: 128, 128>}, {pipeline_mode = #tpu.pipeline_mode<synchronous>, transform_indices = @transform_4, window_bounds = array<i64: 128, 128>}, {pipeline_mode = #tpu.pipeline_mode<synchronous>, transform_indices = @transform_5, window_bounds = array<i64: 1, 128>}, {transform_indices = @transform_6, window_bounds = array<i64: 1000, 128>}]} {
    %get3A = arith.constant 0 : index
    %get3A_0 = arith.constant 0 : index
    %get3A_1 = arith.constant 0 : index
    %get3A_2 = vector.load %arg1[%get3A, %get3A_0, %get3A_1] : memref<2x1000x128xf32, #tpu.memory_space<vmem>>, vector<1x1000x128xf32>
    %get3A_3 = vector.shape_cast %get3A_2 : vector<1x1000x128xf32> to vector<1000x128xf32>
    %get3A_4 = arith.constant 1 : index
    %get3A_5 = arith.constant 0 : index
    %get3A_6 = arith.constant 0 : index
    %get3A_7 = vector.load %arg1[%get3A_4, %get3A_5, %get3A_6] : memref<2x1000x128xf32, #tpu.memory_space<vmem>>, vector<1x1000x128xf32>
    %get3A_8 = vector.shape_cast %get3A_7 : vector<1x1000x128xf32> to vector<1000x128xf32>
    %add3A = arith.addf %get3A_3, %get3A_8 : vector<1000x128xf32>
    %get3A_9 = arith.constant 0 : index
    %get3A_10 = arith.constant 0 : index
    %get3A_11 = arith.constant 0 : index
    %get3A_12 = vector.load %arg2[%get3A_9, %get3A_10, %get3A_11] : memref<2x1000x128xf32, #tpu.memory_space<vmem>>, vector<1x1000x1xf32>
    %get3A_13 = vector.shape_cast %get3A_12 : vector<1x1000x1xf32> to vector<1000x1xf32>
    %get3A_14 = arith.constant 1 : index
    %get3A_15 = arith.constant 0 : index
    %get3A_16 = arith.constant 0 : index
    %get3A_17 = vector.load %arg2[%get3A_14, %get3A_15, %get3A_16] : memref<2x1000x128xf32, #tpu.memory_space<vmem>>, vector<1x1000x1xf32>
    %get3A_18 = vector.shape_cast %get3A_17 : vector<1x1000x1xf32> to vector<1000x1xf32>
    %add3A_19 = arith.addf %get3A_13, %get3A_18 : vector<1000x1xf32>
    %max3A = arith.constant 1.000000e+00 : f32
    %max3A_20 = vector.broadcast %max3A : f32 to vector<1000x1xf32>
    %max3A_21 = arith.maximumf %add3A_19, %max3A_20 : vector<1000x1xf32>
    %div3A = vector.broadcast %max3A_21 : vector<1000x1xf32> to vector<1000x128xf32>
    %div3A_22 = arith.divf %add3A, %div3A : vector<1000x128xf32>
    %get3A_23 = arith.constant 0 : index
    %get3A_24 = arith.constant 0 : index
    %get3A_25 = vector.load %arg4[%get3A_23, %get3A_24] : memref<128x128xf32, #tpu.memory_space<vmem>>, vector<128x128xf32>
    %dot_general3A = arith.constant dense<0.000000e+00> : vector<1000x128xf32>
    %dot_general3A_26 = tpu.matmul %div3A_22, %get3A_25, %dot_general3A {dimension_numbers = #tpu.dot_dimension_numbers<[1], [0], [0], [1], [0, 0, 1, 1], [], []>, precision = #tpu.contract_precision<fp32>, transpose_lhs_hint = false} : vector<1000x128xf32>, vector<128x128xf32>, vector<1000x128xf32> -> vector<1000x128xf32>
    %get3A_27 = arith.constant 0 : index
    %get3A_28 = arith.constant 0 : index
    %get3A_29 = vector.load %arg3[%get3A_27, %get3A_28] : memref<1000x128xf32, #tpu.memory_space<vmem>>, vector<1000x128xf32>
    %get3A_30 = arith.constant 0 : index
    %get3A_31 = arith.constant 0 : index
    %get3A_32 = vector.load %arg5[%get3A_30, %get3A_31] : memref<128x128xf32, #tpu.memory_space<vmem>>, vector<128x128xf32>
    %dot_general3A_33 = arith.constant dense<0.000000e+00> : vector<1000x128xf32>
    %dot_general3A_34 = tpu.matmul %get3A_29, %get3A_32, %dot_general3A_33 {dimension_numbers = #tpu.dot_dimension_numbers<[1], [0], [0], [1], [0, 0, 1, 1], [], []>, precision = #tpu.contract_precision<fp32>, transpose_lhs_hint = false} : vector<1000x128xf32>, vector<128x128xf32>, vector<1000x128xf32> -> vector<1000x128xf32>
    %add3A_35 = arith.addf %dot_general3A_26, %dot_general3A_34 : vector<1000x128xf32>
    %get3A_36 = arith.constant 0 : index
    %get3A_37 = arith.constant 0 : index
    %get3A_38 = vector.load %arg6[%get3A_36, %get3A_37] : memref<1x128xf32, #tpu.memory_space<vmem>>, vector<1x128xf32>
    %add3A_39 = vector.broadcast %get3A_38 : vector<1x128xf32> to vector<1000x128xf32>
    %add3A_40 = arith.addf %add3A_35, %add3A_39 : vector<1000x128xf32>
    %reduce_max3A = arith.constant dense<0xFF800000> : vector<1000xf32>
    %reduce_max3A_41 = vector.multi_reduction <maximumf>, %add3A_40, %reduce_max3A [1] : vector<1000x128xf32> to vector<1000xf32>
    %broadcast_in_dim3A = vector.shape_cast %reduce_max3A_41 : vector<1000xf32> to vector<1000x1xf32>
    %sub3A = vector.broadcast %broadcast_in_dim3A : vector<1000x1xf32> to vector<1000x128xf32>
    %sub3A_42 = arith.subf %add3A_40, %sub3A : vector<1000x128xf32>
    %exp3A = math.exp %sub3A_42 : vector<1000x128xf32>
    %reduce_sum3A = arith.constant dense<0.000000e+00> : vector<1000xf32>
    %reduce_sum3A_43 = vector.multi_reduction <add>, %exp3A, %reduce_sum3A [1] : vector<1000x128xf32> to vector<1000xf32>
    %broadcast_in_dim3A_44 = vector.shape_cast %reduce_sum3A_43 : vector<1000xf32> to vector<1000x1xf32>
    %div3A_45 = vector.broadcast %broadcast_in_dim3A_44 : vector<1000x1xf32> to vector<1000x128xf32>
    %div3A_46 = arith.divf %exp3A, %div3A_45 : vector<1000x128xf32>
    %swap3A = arith.constant 0 : index
    %swap3A_47 = arith.constant 0 : index
    %swap3A_48 = vector.load %arg7[%swap3A, %swap3A_47] : memref<1000x128xf32, #tpu.memory_space<vmem>>, vector<1000x128xf32>
    tpu.vector_store %arg7[%swap3A, %swap3A_47], %div3A_46 {strides = array<i32>} : memref<1000x128xf32, #tpu.memory_space<vmem>>, vector<1000x128xf32>,
    return
  }
  func.func @transform_0(%arg0: i32) -> (i32, i32, i32) {
    %c0_i32 = arith.constant 0 : i32
    %c0_i32_0 = arith.constant 0 : i32
    %c0_i32_1 = arith.constant 0 : i32
    return %c0_i32, %arg0, %c0_i32_0 : i32, i32, i32
  }
  func.func @transform_1(%arg0: i32) -> (i32, i32, i32) {
    %c0_i32 = arith.constant 0 : i32
    %c0_i32_0 = arith.constant 0 : i32
    %c0_i32_1 = arith.constant 0 : i32
    return %c0_i32, %arg0, %c0_i32_0 : i32, i32, i32
  }
  func.func @transform_2(%arg0: i32) -> (i32, i32) {
    %c0_i32 = arith.constant 0 : i32
    %c0_i32_0 = arith.constant 0 : i32
    return %arg0, %c0_i32 : i32, i32
  }
  func.func @transform_3(%arg0: i32) -> (i32, i32) {
    %c0_i32 = arith.constant 0 : i32
    %c0_i32_0 = arith.constant 0 : i32
    %c0_i32_1 = arith.constant 0 : i32
    return %c0_i32, %c0_i32_0 : i32, i32
  }
  func.func @transform_4(%arg0: i32) -> (i32, i32) {
    %c0_i32 = arith.constant 0 : i32
    %c0_i32_0 = arith.constant 0 : i32
    %c0_i32_1 = arith.constant 0 : i32
    return %c0_i32, %c0_i32_0 : i32, i32
  }
  func.func @transform_5(%arg0: i32) -> (i32, i32) {
    %c0_i32 = arith.constant 0 : i32
    %c0_i32_0 = arith.constant 0 : i32
    %c0_i32_1 = arith.constant 0 : i32
    return %c0_i32, %c0_i32_0 : i32, i32
  }
  func.func @transform_6(%arg0: i32) -> (i32, i32) {
    %c0_i32 = arith.constant 0 : i32
    %c0_i32_0 = arith.constant 0 : i32
    return %arg0, %c0_i32 : i32, i32
  }
}

module attributes {stable_mosaic.version = 14 : i64} {
  func.func @body(%arg0: i32, %arg1: memref<2x1000x128xf32, #tpu.memory_space<vmem>>, %arg2: memref<2x1000x128xf32, #tpu.memory_space<vmem>>, %arg3: memref<1000x128xf32, #tpu.memory_space<vmem>>, %arg4: memref<128x128xf32, #tpu.memory_space<vmem>>, %arg5: memref<128x128xf32, #tpu.memory_space<vmem>>, %arg6: memref<1x128xf32, #tpu.memory_space<vmem>>, %arg7: memref<1000x128xf32, #tpu.memory_space<vmem>>) attributes {dimension_semantics = [#tpu.dimension_semantics<arbitrary>], iteration_bounds = array<i64: 10>, scalar_prefetch = 0 : i64, scratch_operands = 0 : i64, tpu.core_type = #tpu.core_type<tc>, window_params = [{transform_indices = @transform_0, window_bounds = array<i64: 2, 1000, 128>}, {transform_indices = @transform_1, window_bounds = array<i64: 2, 1000, 128>}, {transform_indices = @transform_2, window_bounds = array<i64: 1000, 128>}, {pipeline_mode = #tpu.pipeline_mode<synchronous>, transform_indices = @transform_3, window_bounds = array<i64: 128, 128>}, {pipeline_mode = #tpu.pipeline_mode<synchronous>, transform_indices = @transform_4, window_bounds = array<i64: 128, 128>}, {pipeline_mode = #tpu.pipeline_mode<synchronous>, transform_indices = @transform_5, window_bounds = array<i64: 1, 128>}, {transform_indices = @transform_6, window_bounds = array<i64: 1000, 128>}]} {
    %get3A = arith.constant 0 : index
    %get3A_0 = arith.constant 0 : index
    %get3A_1 = arith.constant 0 : index
    %get3A_2 = vector.load %arg1[%get3A, %get3A_0, %get3A_1] : memref<2x1000x128xf32, #tpu.memory_space<vmem>>, vector<1x1000x128xf32>
    %get3A_3 = vector.shape_cast %get3A_2 : vector<1x1000x128xf32> to vector<1000x128xf32>
    %get3A_4 = arith.constant 1 : index
    %get3A_5 = arith.constant 0 : index
    %get3A_6 = arith.constant 0 : index
    %get3A_7 = vector.load %arg1[%get3A_4, %get3A_5, %get3A_6] : memref<2x1000x128xf32, #tpu.memory_space<vmem>>, vector<1x1000x128xf32>
    %get3A_8 = vector.shape_cast %get3A_7 : vector<1x1000x128xf32> to vector<1000x128xf32>
    %add3A = arith.addf %get3A_3, %get3A_8 : vector<1000x128xf32>
    %get3A_9 = arith.constant 0 : index
    %get3A_10 = arith.constant 0 : index
    %get3A_11 = arith.constant 0 : index
    %get3A_12 = vector.load %arg2[%get3A_9, %get3A_10, %get3A_11] : memref<2x1000x128xf32, #tpu.memory_space<vmem>>, vector<1x1000x1xf32>
    %get3A_13 = vector.shape_cast %get3A_12 : vector<1x1000x1xf32> to vector<1000x1xf32>
    %get3A_14 = arith.constant 1 : index
    %get3A_15 = arith.constant 0 : index
    %get3A_16 = arith.constant 0 : index
    %get3A_17 = vector.load %arg2[%get3A_14, %get3A_15, %get3A_16] : memref<2x1000x128xf32, #tpu.memory_space<vmem>>, vector<1x1000x1xf32>
    %get3A_18 = vector.shape_cast %get3A_17 : vector<1x1000x1xf32> to vector<1000x1xf32>
    %add3A_19 = arith.addf %get3A_13, %get3A_18 : vector<1000x1xf32>
    %max3A = arith.constant 1.000000e+00 : f32
    %max3A_20 = vector.broadcast %max3A : f32 to vector<1000x1xf32>
    %max3A_21 = arith.maximumf %add3A_19, %max3A_20 : vector<1000x1xf32>
    %div3A = vector.broadcast %max3A_21 : vector<1000x1xf32> to vector<1000x128xf32>
    %div3A_22 = arith.divf %add3A, %div3A : vector<1000x128xf32>
    %get3A_23 = arith.constant 0 : index
    %get3A_24 = arith.constant 0 : index
    %get3A_25 = vector.load %arg4[%get3A_23, %get3A_24] : memref<128x128xf32, #tpu.memory_space<vmem>>, vector<128x128xf32>
    %dot_general3A = arith.constant dense<0.000000e+00> : vector<1000x128xf32>
    %dot_general3A_26 = tpu.matmul %div3A_22, %get3A_25, %dot_general3A {dimension_numbers = #tpu.dot_dimension_numbers<[1], [0], [0], [1], [0, 0, 1, 1], [], []>, precision = #tpu.contract_precision<fp32>, transpose_lhs_hint = false} : vector<1000x128xf32>, vector<128x128xf32>, vector<1000x128xf32> -> vector<1000x128xf32>
    %get3A_27 = arith.constant 0 : index
    %get3A_28 = arith.constant 0 : index
    %get3A_29 = vector.load %arg3[%get3A_27, %get3A_28] : memref<1000x128xf32, #tpu.memory_space<vmem>>, vector<1000x128xf32>
    %get3A_30 = arith.constant 0 : index
    %get3A_31 = arith.constant 0 : index
    %get3A_32 = vector.load %arg5[%get3A_30, %get3A_31] : memref<128x128xf32, #tpu.memory_space<vmem>>, vector<128x128xf32>
    %dot_general3A_33 = arith.constant dense<0.000000e+00> : vector<1000x128xf32>
    %dot_general3A_34 = tpu.matmul %get3A_29, %get3A_32, %dot_general3A_33 {dimension_numbers = #tpu.dot_dimension_numbers<[1], [0], [0], [1], [0, 0, 1, 1], [], []>, precision = #tpu.contract_precision<fp32>, transpose_lhs_hint = false} : vector<1000x128xf32>, vector<128x128xf32>, vector<1000x128xf32> -> vector<1000x128xf32>
    %add3A_35 = arith.addf %dot_general3A_26, %dot_general3A_34 : vector<1000x128xf32>
    %get3A_36 = arith.constant 0 : index
    %get3A_37 = arith.constant 0 : index
    %get3A_38 = vector.load %arg6[%get3A_36, %get3A_37] : memref<1x128xf32, #tpu.memory_space<vmem>>, vector<1x128xf32>
    %add3A_39 = vector.broadcast %get3A_38 : vector<1x128xf32> to vector<1000x128xf32>
    %add3A_40 = arith.addf %add3A_35, %add3A_39 : vector<1000x128xf32>
    %max3A_41 = arith.constant 0.000000e+00 : f32
    %max3A_42 = vector.broadcast %max3A_41 : f32 to vector<1000x128xf32>
    %max3A_43 = arith.maximumf %add3A_40, %max3A_42 : vector<1000x128xf32>
    %swap3A = arith.constant 0 : index
    %swap3A_44 = arith.constant 0 : index
    %swap3A_45 = vector.load %arg7[%swap3A, %swap3A_44] : memref<1000x128xf32, #tpu.memory_space<vmem>>, vector<1000x128xf32>
    tpu.vector_store %arg7[%swap3A, %swap3A_44], %max3A_43 {strides = array<i32>} : memref<1000x128xf32, #tpu.memory_space<vmem>>, vector<1000x128xf32>,
    return
  }
  func.func @transform_0(%arg0: i32) -> (i32, i32, i32) {
    %c0_i32 = arith.constant 0 : i32
    %c0_i32_0 = arith.constant 0 : i32
    %c0_i32_1 = arith.constant 0 : i32
    return %c0_i32, %arg0, %c0_i32_0 : i32, i32, i32
  }
  func.func @transform_1(%arg0: i32) -> (i32, i32, i32) {
    %c0_i32 = arith.constant 0 : i32
    %c0_i32_0 = arith.constant 0 : i32
    %c0_i32_1 = arith.constant 0 : i32
    return %c0_i32, %arg0, %c0_i32_0 : i32, i32, i32
  }
  func.func @transform_2(%arg0: i32) -> (i32, i32) {
    %c0_i32 = arith.constant 0 : i32
    %c0_i32_0 = arith.constant 0 : i32
    return %arg0, %c0_i32 : i32, i32
  }
  func.func @transform_3(%arg0: i32) -> (i32, i32) {
    %c0_i32 = arith.constant 0 : i32
    %c0_i32_0 = arith.constant 0 : i32
    %c0_i32_1 = arith.constant 0 : i32
    return %c0_i32, %c0_i32_0 : i32, i32
  }
  func.func @transform_4(%arg0: i32) -> (i32, i32) {
    %c0_i32 = arith.constant 0 : i32
    %c0_i32_0 = arith.constant 0 : i32
    %c0_i32_1 = arith.constant 0 : i32
    return %c0_i32, %c0_i32_0 : i32, i32
  }
  func.func @transform_5(%arg0: i32) -> (i32, i32) {
    %c0_i32 = arith.constant 0 : i32
    %c0_i32_0 = arith.constant 0 : i32
    %c0_i32_1 = arith.constant 0 : i32
    return %c0_i32, %c0_i32_0 : i32, i32
  }
  func.func @transform_6(%arg0: i32) -> (i32, i32) {
    %c0_i32 = arith.constant 0 : i32
    %c0_i32_0 = arith.constant 0 : i32
    return %arg0, %c0_i32 : i32, i32
  }
}

</mosaic_0001>

<sc_bundles>
// kernel: kernel.10.cloned.1.call-start
scs
__scs_entry_jumppad:
0x0: {  	(pc) =	sbr.rel $0x88, $3  }
0x1: {  	(tag) =	ssettag $0x0;
	lr =	simm.s32 $0x1  }
0x2: {  	[smem:$0x3F99] =	sst lr;
	_ =	strace $0xD0000000  }
0x3: {  	_ = 	snop  }
0x4: {  	_ = 	snop  }
0x5: {  	_ = 	snop  }
0x6: {  	_ = 	snop  }
0x7: {  	_ = 	snop  }
__scs_overlays_trampoline_lowered:
0x8: {  	[smem:$0x3FA8] =	sst s0  }
0x9: {  	[smem:$0x3FA9] =	sst s1  }
0xa: {  	[smem:$0x3FAA] =	sst s2  }
0xb: {  	[smem:$0x3FAB] =	sst s3  }
0xc: {  	[smem:$0x3FAC] =	sst s4  }
0xd: {  	[smem:$0x3FAD] =	sst s5  }
0xe: {  	[smem:$0x3FAE] =	sst s6  }
0xf: {  	[smem:$0x3FAF] =	sst s7  }
0x10: {  	[smem:$0x3FB0] =	sst s8  }
0x11: {  	[smem:$0x3FB1] =	sst s9;
	s0 =	simm.s32 @!p0 $0x0  }
0x12: {  	s1 =	sld [smem:$0x3F97];
	s0 =	simm.s32 @p0 $0x1  }
0x13: {  	[smem:$0x3FB2] =	sst s0;
	s0 =	simm.s32 @!p1 $0x0  }
0x14: {  	s2 =	sld [smem:$0x3F96];
	s0 =	simm.s32 @p1 $0x1  }
0x15: {  	[smem:$0x3FB3] =	sst s0;
	s0 =	simm.s32 @!p2 $0x0  }
0x16: {  	s3 =	sld [smem:$0x3FDB];
	s0 =	simm.s32 @p2 $0x1  }
0x17: {  	s4 =	simm.s32 $0x1BF5;
	[smem:$0x3FB5] =	sst s0  }
0x18: {  	s0 =	sld [smem:$0x3F98];
	_ =	swait.ge [sflag:s4], $0x0  }
0x19: {  	s7 =	sld [smem:$0x3F99]  }
0x1a: {  	s8 =	sadd.s32 $0xFFFFE003, lr  }
0x1b: {  	s9 =	sadd.s32 $0xFFFFFEF7, lr;
	s5 =	simm.s32 $0xFFFFFFFF;
	p2 =	slt.u32 s8, $0xFFFFF086  }
0x1c: {  	p1 =	slt.u32 s9, $0xF7A;
	s5 =	simm.s32 @!p2 $0x0  }
0x1d: {  	s5 =	simm.s32 @p1 $0x1;
	p0 =	seq.s32 s7, s2  }
0x1e: {  	s7 =	smul.u32 @!p0 $0xF7A, s2;
	p2 =	seq.s32 @!p0 s5, $0x0  }
0x1f: {  	s9 =	smul.u32 $0xF7A, s1;
	s8 =	simm.s32 @!p0 $0x1BF5;
	p2 =	por !p2, p0  }
0x20: {  	[sflag:s8] =	ssyncset.s32 @!p0 $0xFFFFF086;
	s6 =	sadd.s32 @!p0 s3, s7;
	s7 =	simm.s32 @!p0 $0x108  }
0x21: {  	s3 =	sadd.s32 s3, s9;
	s6 =	sadd.s32 @!p0 $0x88, s6;
	s7 =	simm.s32 @p2 $0x1082  }
0x22: {  	[simem:s7], [sflag:s8] =	dma.local @!p0 [hbm:s6], $0xF7A  }
0x23: {  	s9 =	sor.u32 $0xD0000000, s2;
	s6 =	simm.s32 $0x108;
	_ =	swait.ge @!p0 [sflag:s8], $0x0  }
0x24: {  	s3 =	sadd.s32 $0x88, s3;
	s6 =	simm.s32 @!p1 $0x1082;
	[sflag:s4] =	ssyncset.s32 $0xFFFFF086  }
0x25: {  	[simem:s6], [sflag:s4] =	dma.local [hbm:s3], $0xF7A  }
0x26: {  	[smem:$0x3F99] =	sst s1;
	(tag) =	ssettag s2;
	_ =	strace s9  }
0x27: {  	s1 =	sld [smem:$0x3FA9]  }
0x28: {  	s2 =	sld [smem:$0x3FAA]  }
0x29: {  	s4 =	sld [smem:$0x3FAC]  }
0x2a: {  	p0 =	seq.s32 s5, $0x0;
	s5 =	sld [smem:$0x3FAD]  }
0x2b: {  	s6 =	sld [smem:$0x3FAE]  }
0x2c: {  	s7 =	sld [smem:$0x3FAF]  }
0x2d: {  	s3 =	simm.s32 $0x108;
	s8 =	sld [smem:$0x3FB0]  }
0x2e: {  	s3 =	simm.s32 @!p0 $0x1082;
	s9 =	sld [smem:$0x3FB1]  }
0x2f: {  	lr =	sadd.s32 s0, s3;
	s0 =	sld [smem:$0x3FA8]  }
0x30: {  	s3 =	sld [smem:$0x3FAB]  }
0x31: {  	[smem:$0x3FB4] =	sst s10  }
0x32: {  	s10 =	sld [smem:$0x3FB2];
	_ =	sdelay $0x3  }
0x33: {  	p0 =	seq.s32 s10, $0x1;
	s10 =	sld [smem:$0x3FB4];
	_ =	sdelay $0x3  }
0x34: {  	[smem:$0x3FB4] =	sst s10  }
0x35: {  	s10 =	sld [smem:$0x3FB3];
	_ =	sdelay $0x3  }
0x36: {  	p1 =	seq.s32 s10, $0x1;
	s10 =	sld [smem:$0x3FB4];
	_ =	sdelay $0x3  }
0x37: {  	[smem:$0x3FB4] =	sst s10  }
0x38: {  	s10 =	sld [smem:$0x3FB5]  }
0x39: {  	_ = 	snop;
	(pc) =	sbr.ind lr, $3  }
0x3a: {  	_ = 	snop  }
0x3b: {  	_ = 	snop  }
0x3c: {  	p2 =	seq.s32 s10, $0x1;
	s10 =	sld [smem:$0x3FB4]  }
0x3d: {  	_ =	shalt  }
0x3e: {  	_ =	shalt  }
0x3f: {  	_ =	shalt  }
0x40: {  	_ =	shalt  }
0x41: {  	_ =	shalt  }
0x42: {  	_ =	shalt  }
0x43: {  	_ =	shalt  }
0x44: {  	_ =	shalt  }
0x45: {  	_ =	shalt  }
0x46: {  	_ =	shalt  }
0x47: {  	_ =	shalt  }
0x48: {  	_ =	shalt  }
0x49: {  	_ =	shalt  }
0x4a: {  	_ =	shalt  }
0x4b: {  	_ =	shalt  }
0x4c: {  	_ =	shalt  }
0x4d: {  	_ =	shalt  }
0x4e: {  	_ =	shalt  }
0x4f: {  	_ =	shalt  }
0x50: {  	_ =	shalt  }
0x51: {  	_ =	shalt  }
0x52: {  	_ =	shalt  }
0x53: {  	_ =	shalt  }
0x54: {  	_ =	shalt  }
0x55: {  	_ =	shalt  }
0x56: {  	_ =	shalt  }
0x57: {  	_ =	shalt  }
0x58: {  	_ =	shalt  }
0x59: {  	_ =	shalt  }
0x5a: {  	_ =	shalt  }
0x5b: {  	_ =	shalt  }
0x5c: {  	_ =	shalt  }
0x5d: {  	_ =	shalt  }
0x5e: {  	_ =	shalt  }
0x5f: {  	_ =	shalt  }
0x60: {  	_ =	shalt  }
0x61: {  	_ =	shalt  }
0x62: {  	_ =	shalt  }
0x63: {  	_ =	shalt  }
0x64: {  	_ =	shalt  }
0x65: {  	_ =	shalt  }
0x66: {  	_ =	shalt  }
0x67: {  	_ =	shalt  }
0x68: {  	_ =	shalt  }
0x69: {  	_ =	shalt  }
0x6a: {  	_ =	shalt  }
0x6b: {  	_ =	shalt  }
0x6c: {  	_ =	shalt  }
0x6d: {  	_ =	shalt  }
0x6e: {  	_ =	shalt  }
0x6f: {  	_ =	shalt  }
0x70: {  	_ =	shalt  }
0x71: {  	_ =	shalt  }
0x72: {  	_ =	shalt  }
0x73: {  	_ =	shalt  }
0x74: {  	_ =	shalt  }
0x75: {  	_ =	shalt  }
0x76: {  	_ =	shalt  }
0x77: {  	_ =	shalt  }
0x78: {  	_ =	shalt  }
0x79: {  	_ =	shalt  }
0x7a: {  	_ =	shalt  }
0x7b: {  	_ =	shalt  }
0x7c: {  	_ =	shalt  }
0x7d: {  	_ =	shalt  }
0x7e: {  	_ =	shalt  }
0x7f: {  	_ =	shalt  }
0x80: {  	_ =	shalt  }
0x81: {  	_ =	shalt  }
0x82: {  	_ =	shalt  }
0x83: {  	_ =	shalt  }
0x84: {  	_ =	shalt  }
0x85: {  	_ =	shalt  }
0x86: {  	_ =	shalt  }
0x87: {  	_ =	shalt  }
.Lfunc_end0:
.L_simem_size_0:
called_computation.1_lowered:
.L_overlay_start_0:
0x88: {  	s2 =	sld [smem:$0x3FD9]  }
0x89: {  	s3 =	sld [smem:$0x3FFE];
	_ =	sdelay $0x1  }
0x8a: {  	s1 =	srdreg.scid  }
0x8b: {  	s0 =	sand.u32 $0x1, s1  }
0x8c: {  	s17 =	sshll.u32 s0, $0xA;
	s2 =	sadd.s32 s3, s2  }
0x8d: {  	s2 =	sadd.s32 s2, s17  }
0x8e: {  	[smem:$0x3FC0] =	sst s2  }
0x8f: {  	_ = 	snop  }
0x90: {  	s18 =	sld [smem:$0x3FC9];
	(tm) =	ssettm $0x1  }
0x91: {  	s19 =	sld [smem:$0x3FFB];
	_ =	sdelay $0x3  }
0x92: {  	_ =	strace s19  }
0x93: {  	s2 =	sld [smem:$0x3FFC];
	_ =	sdelay $0x3  }
0x94: {  	_ =	strace s2  }
0x95: {  	s2 =	sld [smem:$0x3FFD];
	_ =	sdelay $0x3  }
0x96: {  	_ =	strace s2  }
0x97: {  	_ =	strace $0x8FFFFFFF  }
0x98: {  	s20 =	sld [smem:$0x3FDB];
	_ =	sdelay $0x1  }
0x99: {  	s4 =	simm.s32 $_scs_section_size  }
0x9a: {  	s5 =	simm.s32 $_size__tile_overlayer_lowered;
	s6 =	simm.s32 $_tile_overlayer_lowered  }
0x9b: {  	s7 =	simm.s32 $0x1BFF;
	s21 =	sshll.u32 s6, $0x1;
	s4 =	sadd.s32 s4, s20  }
0x9c: {  	s22 =	simm.s32 $0x0;
	s5 =	sshll.u32 s5, $0x1;
	s6 =	sadd.s32 s21, s4  }
0x9d: {  	[timem:s22], [sflag:s7] =	dma.local [hbm:s6], s5  }
0x9e: {  	_ =	swait.ge [sflag:s7], s5  }
0x9f: {  	s5 =	ssub.s32 $0x0, s5;
	[sflag:s7] =	ssyncset.done $0x0  }
0xa0: {  	[sflag:s7] =	ssyncadd.s32 s5;
	_ =	sdelay $0x1  }
0xa1: {  	s23 =	simm.s32 $0x1B8B  }
0xa2: {  	_ =	swait.ge [sflag:s23], $0x1  }
0xa3: {  	[sflag:s23] =	ssyncset.done $0x0  }
0xa4: {  	[sflag:s23] =	ssyncadd.s32 $0xFFFFFFFF  }
0xa5: {  	s5 =	sld [smem:$0x0]  }
0xa6: {  	s6 =	sand.u32 $0xFFFFFFFE, s1  }
0xa7: {  	p0 =	sne.s32 s1, s6  }
0xa8: {  	s6 =	sshll.u32 @p0 s6, $0xE  }
0xa9: {  	s6 =	sadd.s32 @p0 $0x11B8D, s6;
	s7 =	sshll.u32 @p0 s5, $0x11  }
0xaa: {  	s6 =	sor.u32 @p0 s7, s6  }
0xab: {  	[sflag:s6] =	ssyncadd.remote.s32 @p0 $0x1;
	_ =	sdelay $0x1  }
0xac: {  	s6 =	simm.s32 @p0 $0x1B8D  }
0xad: {  	_ =	swait.eq @p0 [sflag:s6], $0x1  }
0xae: {  	[sflag:s6] =	ssyncadd.s32 @p0 $0xFFFFFFFF  }
0xaf: {  	s7 =	sshll.u32 @!p0 s1, $0xE  }
0xb0: {  	s7 =	sor.u32 @!p0 $0x4000, s7;
	s6 =	simm.s32 @!p0 $0x1B8D  }
0xb1: {  	s5 =	sshll.u32 @!p0 s5, $0x11;
	s7 =	sadd.s32 @!p0 $0x11B8D, s7;
	_ =	swait.eq @!p0 [sflag:s6], $0x1  }
0xb2: {  	s5 =	sor.u32 @!p0 s5, s7;
	[sflag:s6] =	ssyncadd.s32 @!p0 $0xFFFFFFFF  }
0xb3: {  	s25 =	simm.s32 $0x1B8E;
	s24 =	sld [smem:$0x3FFE];
	[sflag:s5] =	ssyncadd.remote.s32 @!p0 $0x1  }
0xb4: {  	s26 =	simm.s32 $execute0_lowered;
	[smem:$0x3FD2] =	sst s25  }
0xb5: {  	s6 =	sshll.u32 s26, $0x1;
	_ =	strace $0x80000049;
	[dreg:$0x1] =	wrdreg $0xFFFFFFFF  }
0xb6: {  	s28 =	simm.s32 $_size_execute0_lowered;
	s4 =	sadd.s32 s4, s6;
	[dreg:$0x0] =	wrdreg $0x0  }
0xb7: {  	s6 =	sshll.u32 s28, $0x1;
	[dreg:$0x2] =	wrdreg s4  }
0xb8: {  	[dreg:$0x3] =	wrdreg s6  }
0xb9: {  	[dreg:$0x4] =	wrdreg $0xC0  }
0xba: {  	_ =	task [dreg:s22], $0x5FFFF  }
0xbb: {  	[dreg:$0x1] =	wrdreg $0xFFFFFFFF  }
0xbc: {  	[dreg:$0x0] =	wrdreg $0x60  }
0xbd: {  	[dreg:$0x2] =	wrdreg s18  }
0xbe: {  	[dreg:$0x3] =	wrdreg s24  }
0xbf: {  	[dreg:$0x4] =	wrdreg $0x0  }
0xc0: {  	[dreg:$0x5] =	wrdreg $0xA  }
0xc1: {  	_ =	task.clear_ibuf [dreg:s22], $0x6FFFF;
	_ =	strace $0x90000049  }
0xc2: {  	s29 =	simm.s32 $0xA;
	_ =	strace $0x8000004B  }
0xc3: {  	_ =	swait.ge [sflag:s29], $0x1  }
0xc4: {  	[sflag:s29] =	ssyncadd.s32 $0xFFFFFFFF  }
0xc5: {  	_ =	strace $0x9000004B  }
0xc6: {  	_ =	sfence  }
0xc7: {  	s30 =	sld [smem:$0x0];
	_ =	sdelay $0x2  }
0xc8: {  	s31 =	sshll.u32 s1, $0xD;
	s1 =	sshrl.u32 s1, $0x2  }
0xc9: {  	s4 =	sand.u32 $0x4000, s31;
	s1 =	sadd.s32 s1, s30  }
0xca: {  	s0 =	sor.u32 s4, s0;
	s1 =	sshll.u32 s1, $0x11  }
0xcb: {  	s0 =	sor.u32 s1, s0  }
0xcc: {  	s0 =	sadd.s32 $0x8F2B, s0  }
0xcd: {  	[sflag:s0] =	ssyncadd.remote.s32 $0x1  }
0xce: {  	_ =	sfence.sel $0xFFFF  }
0xcf: {  	[dreg:$0x0] =	wrdreg $0xFFFFFFFF;
	(pc) =	sbr.abs _section_cstart, $3  }
0xd0: {  	[dreg:$0x1] =	wrdreg $0xFFFFFFFF  }
0xd1: {  	_ =	task.clear_ibuf [dreg:s22], $0x2FFFF;
	_ =	strace $0x9FFFFFFF  }
0xd2: {  	(tm) =	ssettm $0x7FFFFFFF  }
0xd3: {  	_ =	shalt  }
tec
execute0_lowered:
.L_overlay_start_1:
0x0: {  	(tag) =	ssettag $0x1  }
0x1: {  	s2 =	srdreg.scid;
	s1 =	rddreg [dreg:$0x0]  }
0x2: {  	s0 =	stileid.u32;
	s6 =	rddreg [dreg:$0x1]  }
0x3: {  	s3 =	rddreg [dreg:$0x2];
	s4 =	simm.s32 $0x0;
	s15 =	simm.s32 $0x50  }
0x4: {  	s16 =	simm.s32 $0x1A780;
	s17 =	simm.s32 $0x14050;
	s18 =	simm.s32 $0x1CF80  }
0x5: {  	s19 =	simm.s32 $0x1;
	s20 =	simm.s32 $0x2;
	s21 =	simm.s32 $0x1A480  }
0x6: {  	s22 =	simm.s32 $0x1A500;
	s23 =	simm.s32 $0x166C0;
	s5 =	sand.u32 $0x1, s2  }
0x7: {  	s24 =	sshll.u32 s0, $0x1;
	s2 =	rddreg [dreg:$0x3];
	s10 =	smul.u32 $0x14000, s0  }
0x8: {  	[smem:$0x7FF] =	sst s4;
	s28 =	smul.u32 $0x50000, s0;
	s31 =	sshll.u32 s0, $0x6  }
0x9: {  	s7 =	sor.u32 s5, s24;
	s9 =	smul.u32 $0x140000, s5;
	_ =	strace $0x8000004A  }
0xa: {  	s26 =	ssub.s32 $0x2, s5;
	s5 =	sadd.s32 $0x1BE00, s6;
	s24 =	simm.s32 $0x1A580  }
0xb: {  	s8 =	smul.u32 $0x4E2, s7;
	s7 =	sshll.u32 s7, $0xB;
	s29 =	sshrl.u32 s26, $0x1  }
0xc: {  	s30 =	sshrl.u32 s28, $0x2;
	s11 =	sadd.s32 s7, s6;
	s25 =	sadd.s32 s10, s9  }
0xd: {  	s13 =	ssub.s32 s26, s29;
	s14 =	sadd.s32 s30, s3;
	s8 =	sadd.s32 s8, s6  }
0xe: {  	s7 =	sshrl.u32 s25, $0x3;
	s10 =	smax.u32 s13, $0x1;
	s13 =	simm.s32 $0x14000  }
0xf: {  	s25 =	simm.s32 $0x0;
	s12 =	sadd.s32 s7, s6;
	s6 =	sor.u32 $0x1C03, s31  }
0x10: {  	s7 =	sadd.s32 $0x2000, s8;
	s8 =	sadd.s32 $0xBE00, s11;
	s11 =	sshrl.u32 s14, $0x3  }
0x11: {  	s14 =	simm.s32 $0x16780;
	s9 =	sadd.s32 $0x6E600, s12;
	s12 =	simm.s32 $0x3  }
.LBB2_1:
0x12: {  	[spmem:s11], [sflag:s6] =	dma.local [hbm:s5], $0x2800  }
0x13: {  	_ =	swait.ge [sflag:s12], $0x2800  }
0x14: {  	[sflag:s12] =	ssyncset.done $0x0  }
0x15: {  	[sflag:s12] =	ssyncadd.s32 $0xFFFFD800  }
0x16: {  	[tilespmem:s13], [sflag:$0x3] =	stream.linear.gather [hbm4b:s7+s4], $0x2710, $0x38;
	[tilespmem:$0x1F780] =	vst v63  }
0x17: {  	_ =	swait.ge [sflag:s12], $0x2710  }
0x18: {  	[sflag:s12] =	ssyncset.done $0x0  }
0x19: {  	[sflag:s12] =	ssyncadd.s32 $0xFFFFD8F0  }
0x1a: {  	[tilespmem:s14], [sflag:$0x3] =	stream.linear.gather [hbm4b:s8+s4], $0x3E80, $0x38;
	[tilespmem:$0x1F780] =	vst v63  }
0x1b: {  	_ =	swait.ge [sflag:s12], $0x3E80  }
0x1c: {  	[sflag:s12] =	ssyncset.done $0x0  }
0x1d: {  	[sflag:s12] =	ssyncadd.s32 $0xFFFFC180  }
0x1e: {  	[bflag:$0x0] =	sbarrier.arrive $0xFFFF  }
0x1f: {  	[tilespmem:s16], [sflag:$0x1] =	stream.indirect.gather [hbm4b:s1+s15], $0x80, s13, s15, $0xb8;
	[tilespmem:$0x1F780] =	vst v63  }
0x20: {  	_ = 	snop  }
0x21: {  	[tilespmem:s18], [sflag:$0x2] =	stream.indirect.gather [hbm4b:s1+s15], $0x80, s17, s15, $0xb8;
	[tilespmem:$0x1F780] =	vst v63  }
0x22: {  	_ =	swait.ge [sflag:s19], $0x2800  }
0x23: {  	[sflag:s19] =	ssyncset.done $0x0  }
0x24: {  	s26 =	simm.s32 $0x16780;
	[sflag:s19] =	ssyncadd.s32 $0xFFFFD800  }
0x25: {  	[spmem:s3] =	stream.indirect.scatter.add.f32 [tilespmem:s16], [sflag:$0x1], $0x80, s26, s15, $0xb8;
	[tilespmem:$0x1F780] =	vst v63  }
0x26: {  	_ =	swait.ge [sflag:s20], $0x2800  }
0x27: {  	[sflag:s20] =	ssyncset.done $0x0  }
0x28: {  	s30 =	simm.s32 $0x16800;
	[sflag:s20] =	ssyncadd.s32 $0xFFFFD800  }
0x29: {  	[spmem:s3] =	stream.indirect.scatter.add.f32 [tilespmem:s18], [sflag:$0x2], $0x80, s30, s15, $0xb8;
	[tilespmem:$0x1F780] =	vst v63  }
0x2a: {  	_ =	swait.ge [sflag:s19], $0x2800  }
0x2b: {  	[sflag:s19] =	ssyncset.done $0x0  }
0x2c: {  	s31 =	simm.s32 $0x140A0;
	[sflag:s19] =	ssyncadd.s32 $0xFFFFD800  }
0x2d: {  	[tilespmem:s16], [sflag:$0x1] =	stream.indirect.gather [hbm4b:s1+s15], $0x80, s31, s15, $0xb8;
	[tilespmem:$0x1F780] =	vst v63  }
0x2e: {  	_ =	swait.ge [sflag:s20], $0x2800  }
0x2f: {  	s28 =	simm.s32 $0x400;
	[sflag:s20] =	ssyncset.done $0x0  }
0x30: {  	s29 =	simm.s32 $0x14190;
	s26 =	simm.s32 $0x140F0;
	[sflag:s20] =	ssyncadd.s32 $0xFFFFD800  }
.LBB2_2:
0x31: {  	[tilespmem:s18], [sflag:$0x2] =	stream.indirect.gather [hbm4b:s1+s15], $0x80, s26, s15, $0xb8;
	[tilespmem:$0x1F780] =	vst v63  }
0x32: {  	s30 =	smov.u32 s28;
	s26 =	smov.u32 s29  }
0x33: {  	p0 =	sne.s32 s28, $0xF000;
	s28 =	sadd.s32 $0x400, s28;
	_ =	swait.ge [sflag:s19], $0x2800  }
0x34: {  	s30 =	sshra.s32 s30, $0x2;
	[sflag:s19] =	ssyncset.done $0x0  }
0x35: {  	s31 =	sadd.s32 $0x16780, s30;
	[sflag:s19] =	ssyncadd.s32 $0xFFFFD800  }
0x36: {  	[spmem:s3] =	stream.indirect.scatter.add.f32 [tilespmem:s16], [sflag:$0x1], $0x80, s31, s15, $0xb8;
	[tilespmem:$0x1F780] =	vst v63  }
0x37: {  	_ =	swait.ge [sflag:s20], $0x2800  }
0x38: {  	[sflag:s20] =	ssyncset.done $0x0  }
0x39: {  	s30 =	sadd.s32 $0x16800, s30;
	[sflag:s20] =	ssyncadd.s32 $0xFFFFD800  }
0x3a: {  	[spmem:s3] =	stream.indirect.scatter.add.f32 [tilespmem:s18], [sflag:$0x2], $0x80, s30, s15, $0xb8;
	[tilespmem:$0x1F780] =	vst v63  }
0x3b: {  	_ =	swait.ge [sflag:s19], $0x2800  }
0x3c: {  	[sflag:s19] =	ssyncset.done $0x0  }
.Ltmp0:
0x3d: {  	s30 =	sadd.s32 $0xFFFFFFB0, s29;
	[sflag:s19] =	ssyncadd.s32 $0xFFFFD800;
	(pc) =	sbr.rel @p0 .LBB2_2-.Ltmp0, $4  }
0x3e: {  	[tilespmem:s16], [sflag:$0x1] =	stream.indirect.gather [hbm4b:s1+s15], $0x80, s30, s15, $0xb8;
	[tilespmem:$0x1F780] =	vst v63  }
0x3f: {  	_ =	swait.ge [sflag:s20], $0x2800  }
0x40: {  	[sflag:s20] =	ssyncset.done $0x0  }
0x41: {  	s29 =	sadd.s32 $0xA0, s29;
	[sflag:s20] =	ssyncadd.s32 $0xFFFFD800  }
0x42: {  	[tilespmem:s18], [sflag:$0x2] =	stream.indirect.gather [hbm4b:s1+s15], $0x80, s26, s15, $0xb8;
	[tilespmem:$0x1F780] =	vst v63  }
0x43: {  	_ =	swait.ge [sflag:s19], $0x2800  }
0x44: {  	[sflag:s19] =	ssyncset.done $0x0  }
0x45: {  	[sflag:s19] =	ssyncadd.s32 $0xFFFFD800  }
0x46: {  	[spmem:s3] =	stream.indirect.scatter.add.f32 [tilespmem:s16], [sflag:$0x1], $0x80, s21, s15, $0xb8;
	[tilespmem:$0x1F780] =	vst v63  }
0x47: {  	_ =	swait.ge [sflag:s20], $0x2800  }
0x48: {  	[sflag:s20] =	ssyncset.done $0x0  }
0x49: {  	[sflag:s20] =	ssyncadd.s32 $0xFFFFD800  }
0x4a: {  	[spmem:s3] =	stream.indirect.scatter.add.f32 [tilespmem:s18], [sflag:$0x2], $0x80, s22, s15, $0xb8;
	[tilespmem:$0x1F780] =	vst v63  }
0x4b: {  	_ =	swait.ge [sflag:s19], $0x2800  }
0x4c: {  	[sflag:s19] =	ssyncset.done $0x0  }
0x4d: {  	[sflag:s19] =	ssyncadd.s32 $0xFFFFD800  }
0x4e: {  	[tilespmem:s16], [sflag:$0x1] =	stream.indirect.gather [hbm4b:s1+s15], $0x80, s23, s15, $0xb8;
	[tilespmem:$0x1F780] =	vst v63  }
0x4f: {  	_ =	swait.ge [sflag:s20], $0x2800  }
0x50: {  	[sflag:s20] =	ssyncset.done $0x0  }
0x51: {  	[sflag:s20] =	ssyncadd.s32 $0xFFFFD800  }
0x52: {  	_ =	swait.ge [sflag:s19], $0x2800  }
0x53: {  	[sflag:s19] =	ssyncset.done $0x0  }
0x54: {  	[sflag:s19] =	ssyncadd.s32 $0xFFFFD800  }
0x55: {  	[spmem:s3] =	stream.indirect.scatter.add.f32 [tilespmem:s16], [sflag:$0x1], $0x80, s24, s15, $0xb8;
	[tilespmem:$0x1F780] =	vst v63  }
0x56: {  	_ =	swait.ge [sflag:s19], $0x2800  }
0x57: {  	s25 =	sadd.s32 $0x1, s25;
	[sflag:s19] =	ssyncset.done $0x0  }
0x58: {  	p0 =	sne.s32 s25, s10;
	[sflag:s19] =	ssyncadd.s32 $0xFFFFD800  }
.Ltmp1:
0x59: {  	[bflag:$0x0] =	sbarrier.arrive $0xFFFF;
	(pc) =	sbr.rel @p0 .LBB2_1-.Ltmp1, $4  }
0x5a: {  	[hbm:s9], [sflag:s6] =	dma.local [spmem:s11], $0x2800  }
0x5b: {  	_ =	swait.ge [sflag:s12], $0x2800  }
0x5c: {  	[sflag:s12] =	ssyncset.done $0x0  }
0x5d: {  	[sflag:s12] =	ssyncadd.s32 $0xFFFFD800  }
0x5e: {  	_ =	sfence.sel $0x180000  }
0x5f: {  	[bflag:$0x0] =	sbarrier.arrive $0xFFFF  }
0x60: {  	p0 =	sne.s32 s0, $0x0;
	_ =	strace $0x9000004A  }
0x61: {  	s0 =	sadd.s32 @!p0 $0x100000, s2;
	[bflag:$0x2] =	sbarrier.arrive $0xFFFF  }
0x62: {  	[sflag:s0] =	ssyncadd.tile.s32 @!p0 $0x1;
	_ =	shalt  }
.Lfunc_end2:
_tile_overlayer_lowered:
.L_overlay_start_2:
0x63: {  	(tag) =	ssettag $0x2  }
0x64: {  	s0 =	rddreg [dreg:$0x0];
	s2 =	stileid.u32  }
0x65: {  	s1 =	rddreg [dreg:$0x1];
	p0 =	sne.s32 s2, $0x0  }
0x66: {  	s3 =	rddreg [dreg:$0x2];
	[bflag:$0x3] =	sbarrier.arrive $0xFFFF;
	s2 =	simm.s32 @!p0 $0x1C03  }
0x67: {  	[timem:s3], [sflag:s2] =	dma.local @!p0 [hbm:s0], s1  }
0x68: {  	s0 =	simm.s32 @!p0 $0x3  }
0x69: {  	_ =	swait.ge @!p0 [sflag:s0], s1  }
0x6a: {  	s1 =	ssub.s32 @!p0 $0x0, s1;
	[sflag:s0] =	ssyncset.done @!p0 $0x0  }
0x6b: {  	[sflag:s0] =	ssyncadd.s32 @!p0 s1  }
0x6c: {  	[bflag:$0x3] =	sbarrier.arrive $0xFFFF  }
0x6d: {  	_ =	shalt  }

// kernel: kernel.13.cloned.1.call-start
scs
__scs_entry_jumppad:
0x0: {  	(pc) =	sbr.rel $0x88, $3  }
0x1: {  	(tag) =	ssettag $0x0;
	lr =	simm.s32 $0x1  }
0x2: {  	[smem:$0x3F99] =	sst lr;
	_ =	strace $0xD0000000  }
0x3: {  	_ = 	snop  }
0x4: {  	_ = 	snop  }
0x5: {  	_ = 	snop  }
0x6: {  	_ = 	snop  }
0x7: {  	_ = 	snop  }
__scs_overlays_trampoline_lowered:
0x8: {  	[smem:$0x3FA8] =	sst s0  }
0x9: {  	[smem:$0x3FA9] =	sst s1  }
0xa: {  	[smem:$0x3FAA] =	sst s2  }
0xb: {  	[smem:$0x3FAB] =	sst s3  }
0xc: {  	[smem:$0x3FAC] =	sst s4  }
0xd: {  	[smem:$0x3FAD] =	sst s5  }
0xe: {  	[smem:$0x3FAE] =	sst s6  }
0xf: {  	[smem:$0x3FAF] =	sst s7  }
0x10: {  	[smem:$0x3FB0] =	sst s8  }
0x11: {  	[smem:$0x3FB1] =	sst s9;
	s0 =	simm.s32 @!p0 $0x0  }
0x12: {  	s1 =	sld [smem:$0x3F97];
	s0 =	simm.s32 @p0 $0x1  }
0x13: {  	[smem:$0x3FB2] =	sst s0;
	s0 =	simm.s32 @!p1 $0x0  }
0x14: {  	s2 =	sld [smem:$0x3F96];
	s0 =	simm.s32 @p1 $0x1  }
0x15: {  	[smem:$0x3FB3] =	sst s0;
	s0 =	simm.s32 @!p2 $0x0  }
0x16: {  	s3 =	sld [smem:$0x3FDB];
	s0 =	simm.s32 @p2 $0x1  }
0x17: {  	s4 =	simm.s32 $0x1BF5;
	[smem:$0x3FB5] =	sst s0  }
0x18: {  	s0 =	sld [smem:$0x3F98];
	_ =	swait.ge [sflag:s4], $0x0  }
0x19: {  	s7 =	sld [smem:$0x3F99]  }
0x1a: {  	s8 =	sadd.s32 $0xFFFFE003, lr  }
0x1b: {  	s9 =	sadd.s32 $0xFFFFFEF7, lr;
	s5 =	simm.s32 $0xFFFFFFFF;
	p2 =	slt.u32 s8, $0xFFFFF086  }
0x1c: {  	p1 =	slt.u32 s9, $0xF7A;
	s5 =	simm.s32 @!p2 $0x0  }
0x1d: {  	s5 =	simm.s32 @p1 $0x1;
	p0 =	seq.s32 s7, s2  }
0x1e: {  	s7 =	smul.u32 @!p0 $0xF7A, s2;
	p2 =	seq.s32 @!p0 s5, $0x0  }
0x1f: {  	s9 =	smul.u32 $0xF7A, s1;
	s8 =	simm.s32 @!p0 $0x1BF5;
	p2 =	por !p2, p0  }
0x20: {  	[sflag:s8] =	ssyncset.s32 @!p0 $0xFFFFF086;
	s6 =	sadd.s32 @!p0 s3, s7;
	s7 =	simm.s32 @!p0 $0x108  }
0x21: {  	s3 =	sadd.s32 s3, s9;
	s6 =	sadd.s32 @!p0 $0x88, s6;
	s7 =	simm.s32 @p2 $0x1082  }
0x22: {  	[simem:s7], [sflag:s8] =	dma.local @!p0 [hbm:s6], $0xF7A  }
0x23: {  	s9 =	sor.u32 $0xD0000000, s2;
	s6 =	simm.s32 $0x108;
	_ =	swait.ge @!p0 [sflag:s8], $0x0  }
0x24: {  	s3 =	sadd.s32 $0x88, s3;
	s6 =	simm.s32 @!p1 $0x1082;
	[sflag:s4] =	ssyncset.s32 $0xFFFFF086  }
0x25: {  	[simem:s6], [sflag:s4] =	dma.local [hbm:s3], $0xF7A  }
0x26: {  	[smem:$0x3F99] =	sst s1;
	(tag) =	ssettag s2;
	_ =	strace s9  }
0x27: {  	s1 =	sld [smem:$0x3FA9]  }
0x28: {  	s2 =	sld [smem:$0x3FAA]  }
0x29: {  	s4 =	sld [smem:$0x3FAC]  }
0x2a: {  	p0 =	seq.s32 s5, $0x0;
	s5 =	sld [smem:$0x3FAD]  }
0x2b: {  	s6 =	sld [smem:$0x3FAE]  }
0x2c: {  	s7 =	sld [smem:$0x3FAF]  }
0x2d: {  	s3 =	simm.s32 $0x108;
	s8 =	sld [smem:$0x3FB0]  }
0x2e: {  	s3 =	simm.s32 @!p0 $0x1082;
	s9 =	sld [smem:$0x3FB1]  }
0x2f: {  	lr =	sadd.s32 s0, s3;
	s0 =	sld [smem:$0x3FA8]  }
0x30: {  	s3 =	sld [smem:$0x3FAB]  }
0x31: {  	[smem:$0x3FB4] =	sst s10  }
0x32: {  	s10 =	sld [smem:$0x3FB2];
	_ =	sdelay $0x3  }
0x33: {  	p0 =	seq.s32 s10, $0x1;
	s10 =	sld [smem:$0x3FB4];
	_ =	sdelay $0x3  }
0x34: {  	[smem:$0x3FB4] =	sst s10  }
0x35: {  	s10 =	sld [smem:$0x3FB3];
	_ =	sdelay $0x3  }
0x36: {  	p1 =	seq.s32 s10, $0x1;
	s10 =	sld [smem:$0x3FB4];
	_ =	sdelay $0x3  }
0x37: {  	[smem:$0x3FB4] =	sst s10  }
0x38: {  	s10 =	sld [smem:$0x3FB5]  }
0x39: {  	_ = 	snop;
	(pc) =	sbr.ind lr, $3  }
0x3a: {  	_ = 	snop  }
0x3b: {  	_ = 	snop  }
0x3c: {  	p2 =	seq.s32 s10, $0x1;
	s10 =	sld [smem:$0x3FB4]  }
0x3d: {  	_ =	shalt  }
0x3e: {  	_ =	shalt  }
0x3f: {  	_ =	shalt  }
0x40: {  	_ =	shalt  }
0x41: {  	_ =	shalt  }
0x42: {  	_ =	shalt  }
0x43: {  	_ =	shalt  }
0x44: {  	_ =	shalt  }
0x45: {  	_ =	shalt  }
0x46: {  	_ =	shalt  }
0x47: {  	_ =	shalt  }
0x48: {  	_ =	shalt  }
0x49: {  	_ =	shalt  }
0x4a: {  	_ =	shalt  }
0x4b: {  	_ =	shalt  }
0x4c: {  	_ =	shalt  }
0x4d: {  	_ =	shalt  }
0x4e: {  	_ =	shalt  }
0x4f: {  	_ =	shalt  }
0x50: {  	_ =	shalt  }
0x51: {  	_ =	shalt  }
0x52: {  	_ =	shalt  }
0x53: {  	_ =	shalt  }
0x54: {  	_ =	shalt  }
0x55: {  	_ =	shalt  }
0x56: {  	_ =	shalt  }
0x57: {  	_ =	shalt  }
0x58: {  	_ =	shalt  }
0x59: {  	_ =	shalt  }
0x5a: {  	_ =	shalt  }
0x5b: {  	_ =	shalt  }
0x5c: {  	_ =	shalt  }
0x5d: {  	_ =	shalt  }
0x5e: {  	_ =	shalt  }
0x5f: {  	_ =	shalt  }
0x60: {  	_ =	shalt  }
0x61: {  	_ =	shalt  }
0x62: {  	_ =	shalt  }
0x63: {  	_ =	shalt  }
0x64: {  	_ =	shalt  }
0x65: {  	_ =	shalt  }
0x66: {  	_ =	shalt  }
0x67: {  	_ =	shalt  }
0x68: {  	_ =	shalt  }
0x69: {  	_ =	shalt  }
0x6a: {  	_ =	shalt  }
0x6b: {  	_ =	shalt  }
0x6c: {  	_ =	shalt  }
0x6d: {  	_ =	shalt  }
0x6e: {  	_ =	shalt  }
0x6f: {  	_ =	shalt  }
0x70: {  	_ =	shalt  }
0x71: {  	_ =	shalt  }
0x72: {  	_ =	shalt  }
0x73: {  	_ =	shalt  }
0x74: {  	_ =	shalt  }
0x75: {  	_ =	shalt  }
0x76: {  	_ =	shalt  }
0x77: {  	_ =	shalt  }
0x78: {  	_ =	shalt  }
0x79: {  	_ =	shalt  }
0x7a: {  	_ =	shalt  }
0x7b: {  	_ =	shalt  }
0x7c: {  	_ =	shalt  }
0x7d: {  	_ =	shalt  }
0x7e: {  	_ =	shalt  }
0x7f: {  	_ =	shalt  }
0x80: {  	_ =	shalt  }
0x81: {  	_ =	shalt  }
0x82: {  	_ =	shalt  }
0x83: {  	_ =	shalt  }
0x84: {  	_ =	shalt  }
0x85: {  	_ =	shalt  }
0x86: {  	_ =	shalt  }
0x87: {  	_ =	shalt  }
.Lfunc_end0:
.L_simem_size_0:
called_computation.2_lowered:
.L_overlay_start_0:
0x88: {  	s2 =	sld [smem:$0x3FD9]  }
0x89: {  	s3 =	sld [smem:$0x3FFE];
	_ =	sdelay $0x1  }
0x8a: {  	s1 =	srdreg.scid  }
0x8b: {  	s0 =	sand.u32 $0x1, s1  }
0x8c: {  	s17 =	sshll.u32 s0, $0xA;
	s2 =	sadd.s32 s3, s2  }
0x8d: {  	s2 =	sadd.s32 s2, s17  }
0x8e: {  	[smem:$0x3FC0] =	sst s2  }
0x8f: {  	_ = 	snop  }
0x90: {  	s2 =	sld [smem:$0x3FD0];
	(tm) =	ssettm $0x1  }
0x91: {  	s18 =	sld [smem:$0x3FFB];
	_ =	sdelay $0x3  }
0x92: {  	_ =	strace s18  }
0x93: {  	s3 =	sld [smem:$0x3FFC];
	_ =	sdelay $0x3  }
0x94: {  	_ =	strace s3  }
0x95: {  	s3 =	sld [smem:$0x3FFD];
	_ =	sdelay $0x3  }
0x96: {  	_ =	strace s3  }
0x97: {  	_ =	strace $0x8FFFFFFF  }
0x98: {  	s19 =	sld [smem:$0x3FDB];
	_ =	sdelay $0x1  }
0x99: {  	s4 =	simm.s32 $_scs_section_size  }
0x9a: {  	s5 =	simm.s32 $_size__tile_overlayer_lowered;
	s6 =	simm.s32 $_tile_overlayer_lowered  }
0x9b: {  	s22 =	simm.s32 $0x1BFF;
	s21 =	sshll.u32 s6, $0x1;
	s3 =	sadd.s32 s4, s19  }
0x9c: {  	s7 =	simm.s32 $0x0;
	s20 =	sshll.u32 s5, $0x1;
	s5 =	sadd.s32 s21, s3  }
0x9d: {  	[timem:s7], [sflag:s22] =	dma.local [hbm:s5], s20  }
0x9e: {  	_ =	swait.ge [sflag:s22], s20  }
0x9f: {  	s4 =	ssub.s32 $0x0, s20;
	[sflag:s22] =	ssyncset.done $0x0  }
0xa0: {  	[sflag:s22] =	ssyncadd.s32 s4;
	_ =	sdelay $0x1  }
0xa1: {  	s23 =	simm.s32 $0x1B8B  }
0xa2: {  	_ =	swait.ge [sflag:s23], $0x1  }
0xa3: {  	[sflag:s23] =	ssyncset.done $0x0  }
0xa4: {  	s25 =	simm.s32 $0x1B8E;
	s24 =	sld [smem:$0x3FFE];
	[sflag:s23] =	ssyncadd.s32 $0xFFFFFFFF  }
0xa5: {  	s26 =	simm.s32 $execute0_lowered;
	[smem:$0x3FD2] =	sst s25  }
0xa6: {  	s5 =	sshll.u32 s26, $0x1;
	_ =	strace $0x8000004C;
	[dreg:$0x1] =	wrdreg $0xFFFFFFFF  }
0xa7: {  	s28 =	simm.s32 $_size_execute0_lowered;
	s3 =	sadd.s32 s3, s5;
	[dreg:$0x0] =	wrdreg $0x0  }
0xa8: {  	s5 =	sshll.u32 s28, $0x1;
	[dreg:$0x2] =	wrdreg s3  }
0xa9: {  	[dreg:$0x3] =	wrdreg s5  }
0xaa: {  	[dreg:$0x4] =	wrdreg $0xC0  }
0xab: {  	_ =	task [dreg:s7], $0x5FFFF  }
0xac: {  	[dreg:$0x1] =	wrdreg $0xFFFFFFFF  }
0xad: {  	[dreg:$0x0] =	wrdreg $0x60  }
0xae: {  	[dreg:$0x2] =	wrdreg s2  }
0xaf: {  	[dreg:$0x3] =	wrdreg s24  }
0xb0: {  	[dreg:$0x4] =	wrdreg $0x0  }
0xb1: {  	[dreg:$0x5] =	wrdreg $0x9  }
0xb2: {  	_ =	task.clear_ibuf [dreg:s7], $0x6FFFF;
	_ =	strace $0x9000004C  }
0xb3: {  	s29 =	simm.s32 $0x9;
	_ =	strace $0x8000004E  }
0xb4: {  	_ =	swait.ge [sflag:s29], $0x1  }
0xb5: {  	[sflag:s29] =	ssyncadd.s32 $0xFFFFFFFF  }
0xb6: {  	_ =	strace $0x9000004E  }
0xb7: {  	_ =	sfence  }
0xb8: {  	s30 =	sld [smem:$0x0];
	_ =	sdelay $0x2  }
0xb9: {  	s31 =	sshll.u32 s1, $0xD;
	s1 =	sshrl.u32 s1, $0x2  }
0xba: {  	s3 =	sand.u32 $0x4000, s31;
	s1 =	sadd.s32 s1, s30  }
0xbb: {  	s0 =	sor.u32 s3, s0;
	s1 =	sshll.u32 s1, $0x11  }
0xbc: {  	s0 =	sor.u32 s1, s0  }
0xbd: {  	s0 =	sadd.s32 $0x8F2B, s0  }
0xbe: {  	[sflag:s0] =	ssyncadd.remote.s32 $0x1  }
0xbf: {  	_ =	sfence.sel $0xFFFF  }
0xc0: {  	[dreg:$0x0] =	wrdreg $0xFFFFFFFF;
	(pc) =	sbr.abs _section_cstart, $3  }
0xc1: {  	[dreg:$0x1] =	wrdreg $0xFFFFFFFF  }
0xc2: {  	_ =	task.clear_ibuf [dreg:s7], $0x2FFFF;
	_ =	strace $0x9FFFFFFF  }
0xc3: {  	(tm) =	ssettm $0x7FFFFFFF  }
tec
execute0_lowered:
.L_overlay_start_1:
0x0: {  	(tag) =	ssettag $0x1  }
0x1: {  	s2 =	srdreg.scid;
	s1 =	rddreg [dreg:$0x0]  }
0x2: {  	s0 =	stileid.u32;
	s6 =	rddreg [dreg:$0x1]  }
0x3: {  	s3 =	rddreg [dreg:$0x2];
	s4 =	simm.s32 $0x0;
	s15 =	simm.s32 $0x50  }
0x4: {  	s16 =	simm.s32 $0x1A780;
	s17 =	simm.s32 $0x14050;
	s18 =	simm.s32 $0x1CF80  }
0x5: {  	s19 =	simm.s32 $0x1;
	s20 =	simm.s32 $0x2;
	s21 =	simm.s32 $0x1A480  }
0x6: {  	s22 =	simm.s32 $0x1A500;
	s23 =	simm.s32 $0x166C0;
	s5 =	sand.u32 $0x1, s2  }
0x7: {  	s24 =	sshll.u32 s0, $0x1;
	s2 =	rddreg [dreg:$0x3];
	s10 =	smul.u32 $0x14000, s0  }
0x8: {  	[smem:$0x7FF] =	sst s4;
	s28 =	smul.u32 $0x50000, s0;
	s31 =	sshll.u32 s0, $0x6  }
0x9: {  	s7 =	sor.u32 s5, s24;
	s9 =	smul.u32 $0x140000, s5;
	_ =	strace $0x8000004D  }
0xa: {  	s26 =	ssub.s32 $0x2, s5;
	s5 =	sadd.s32 $0x1BE00, s6;
	s24 =	simm.s32 $0x1A580  }
0xb: {  	s8 =	smul.u32 $0x4E2, s7;
	s7 =	sshll.u32 s7, $0xB;
	s29 =	sshrl.u32 s26, $0x1  }
0xc: {  	s30 =	sshrl.u32 s28, $0x2;
	s11 =	sadd.s32 s7, s6;
	s25 =	sadd.s32 s10, s9  }
0xd: {  	s13 =	ssub.s32 s26, s29;
	s14 =	sadd.s32 s30, s3;
	s8 =	sadd.s32 s8, s6  }
0xe: {  	s7 =	sshrl.u32 s25, $0x3;
	s10 =	smax.u32 s13, $0x1;
	s13 =	simm.s32 $0x14000  }
0xf: {  	s25 =	simm.s32 $0x0;
	s12 =	sadd.s32 s7, s6;
	s6 =	sor.u32 $0x1C03, s31  }
0x10: {  	s7 =	sadd.s32 $0x2000, s8;
	s8 =	sadd.s32 $0xBE00, s11;
	s11 =	sshrl.u32 s14, $0x3  }
0x11: {  	s14 =	simm.s32 $0x16780;
	s9 =	sadd.s32 $0x6E600, s12;
	s12 =	simm.s32 $0x3  }
.LBB2_1:
0x12: {  	[spmem:s11], [sflag:s6] =	dma.local [hbm:s5], $0x2800  }
0x13: {  	_ =	swait.ge [sflag:s12], $0x2800  }
0x14: {  	[sflag:s12] =	ssyncset.done $0x0  }
0x15: {  	[sflag:s12] =	ssyncadd.s32 $0xFFFFD800  }
0x16: {  	[tilespmem:s13], [sflag:$0x3] =	stream.linear.gather [hbm4b:s7+s4], $0x2710, $0x38;
	[tilespmem:$0x1F780] =	vst v63  }
0x17: {  	_ =	swait.ge [sflag:s12], $0x2710  }
0x18: {  	[sflag:s12] =	ssyncset.done $0x0  }
0x19: {  	[sflag:s12] =	ssyncadd.s32 $0xFFFFD8F0  }
0x1a: {  	[tilespmem:s14], [sflag:$0x3] =	stream.linear.gather [hbm4b:s8+s4], $0x3E80, $0x38;
	[tilespmem:$0x1F780] =	vst v63  }
0x1b: {  	_ =	swait.ge [sflag:s12], $0x3E80  }
0x1c: {  	[sflag:s12] =	ssyncset.done $0x0  }
0x1d: {  	[sflag:s12] =	ssyncadd.s32 $0xFFFFC180  }
0x1e: {  	[bflag:$0x0] =	sbarrier.arrive $0xFFFF  }
0x1f: {  	[tilespmem:s16], [sflag:$0x1] =	stream.indirect.gather [hbm4b:s1+s15], $0x80, s13, s15, $0xb8;
	[tilespmem:$0x1F780] =	vst v63  }
0x20: {  	_ = 	snop  }
0x21: {  	[tilespmem:s18], [sflag:$0x2] =	stream.indirect.gather [hbm4b:s1+s15], $0x80, s17, s15, $0xb8;
	[tilespmem:$0x1F780] =	vst v63  }
0x22: {  	_ =	swait.ge [sflag:s19], $0x2800  }
0x23: {  	[sflag:s19] =	ssyncset.done $0x0  }
0x24: {  	s26 =	simm.s32 $0x16780;
	[sflag:s19] =	ssyncadd.s32 $0xFFFFD800  }
0x25: {  	[spmem:s3] =	stream.indirect.scatter.add.f32 [tilespmem:s16], [sflag:$0x1], $0x80, s26, s15, $0xb8;
	[tilespmem:$0x1F780] =	vst v63  }
0x26: {  	_ =	swait.ge [sflag:s20], $0x2800  }
0x27: {  	[sflag:s20] =	ssyncset.done $0x0  }
0x28: {  	s30 =	simm.s32 $0x16800;
	[sflag:s20] =	ssyncadd.s32 $0xFFFFD800  }
0x29: {  	[spmem:s3] =	stream.indirect.scatter.add.f32 [tilespmem:s18], [sflag:$0x2], $0x80, s30, s15, $0xb8;
	[tilespmem:$0x1F780] =	vst v63  }
0x2a: {  	_ =	swait.ge [sflag:s19], $0x2800  }
0x2b: {  	[sflag:s19] =	ssyncset.done $0x0  }
0x2c: {  	s31 =	simm.s32 $0x140A0;
	[sflag:s19] =	ssyncadd.s32 $0xFFFFD800  }
0x2d: {  	[tilespmem:s16], [sflag:$0x1] =	stream.indirect.gather [hbm4b:s1+s15], $0x80, s31, s15, $0xb8;
	[tilespmem:$0x1F780] =	vst v63  }
0x2e: {  	_ =	swait.ge [sflag:s20], $0x2800  }
0x2f: {  	s28 =	simm.s32 $0x400;
	[sflag:s20] =	ssyncset.done $0x0  }
0x30: {  	s29 =	simm.s32 $0x14190;
	s26 =	simm.s32 $0x140F0;
	[sflag:s20] =	ssyncadd.s32 $0xFFFFD800  }
.LBB2_2:
0x31: {  	[tilespmem:s18], [sflag:$0x2] =	stream.indirect.gather [hbm4b:s1+s15], $0x80, s26, s15, $0xb8;
	[tilespmem:$0x1F780] =	vst v63  }
0x32: {  	s30 =	smov.u32 s28;
	s26 =	smov.u32 s29  }
0x33: {  	p0 =	sne.s32 s28, $0xF000;
	s28 =	sadd.s32 $0x400, s28;
	_ =	swait.ge [sflag:s19], $0x2800  }
0x34: {  	s30 =	sshra.s32 s30, $0x2;
	[sflag:s19] =	ssyncset.done $0x0  }
0x35: {  	s31 =	sadd.s32 $0x16780, s30;
	[sflag:s19] =	ssyncadd.s32 $0xFFFFD800  }
0x36: {  	[spmem:s3] =	stream.indirect.scatter.add.f32 [tilespmem:s16], [sflag:$0x1], $0x80, s31, s15, $0xb8;
	[tilespmem:$0x1F780] =	vst v63  }
0x37: {  	_ =	swait.ge [sflag:s20], $0x2800  }
0x38: {  	[sflag:s20] =	ssyncset.done $0x0  }
0x39: {  	s30 =	sadd.s32 $0x16800, s30;
	[sflag:s20] =	ssyncadd.s32 $0xFFFFD800  }
0x3a: {  	[spmem:s3] =	stream.indirect.scatter.add.f32 [tilespmem:s18], [sflag:$0x2], $0x80, s30, s15, $0xb8;
	[tilespmem:$0x1F780] =	vst v63  }
0x3b: {  	_ =	swait.ge [sflag:s19], $0x2800  }
0x3c: {  	[sflag:s19] =	ssyncset.done $0x0  }
.Ltmp0:
0x3d: {  	s30 =	sadd.s32 $0xFFFFFFB0, s29;
	[sflag:s19] =	ssyncadd.s32 $0xFFFFD800;
	(pc) =	sbr.rel @p0 .LBB2_2-.Ltmp0, $4  }
0x3e: {  	[tilespmem:s16], [sflag:$0x1] =	stream.indirect.gather [hbm4b:s1+s15], $0x80, s30, s15, $0xb8;
	[tilespmem:$0x1F780] =	vst v63  }
0x3f: {  	_ =	swait.ge [sflag:s20], $0x2800  }
0x40: {  	[sflag:s20] =	ssyncset.done $0x0  }
0x41: {  	s29 =	sadd.s32 $0xA0, s29;
	[sflag:s20] =	ssyncadd.s32 $0xFFFFD800  }
0x42: {  	[tilespmem:s18], [sflag:$0x2] =	stream.indirect.gather [hbm4b:s1+s15], $0x80, s26, s15, $0xb8;
	[tilespmem:$0x1F780] =	vst v63  }
0x43: {  	_ =	swait.ge [sflag:s19], $0x2800  }
0x44: {  	[sflag:s19] =	ssyncset.done $0x0  }
0x45: {  	[sflag:s19] =	ssyncadd.s32 $0xFFFFD800  }
0x46: {  	[spmem:s3] =	stream.indirect.scatter.add.f32 [tilespmem:s16], [sflag:$0x1], $0x80, s21, s15, $0xb8;
	[tilespmem:$0x1F780] =	vst v63  }
0x47: {  	_ =	swait.ge [sflag:s20], $0x2800  }
0x48: {  	[sflag:s20] =	ssyncset.done $0x0  }
0x49: {  	[sflag:s20] =	ssyncadd.s32 $0xFFFFD800  }
0x4a: {  	[spmem:s3] =	stream.indirect.scatter.add.f32 [tilespmem:s18], [sflag:$0x2], $0x80, s22, s15, $0xb8;
	[tilespmem:$0x1F780] =	vst v63  }
0x4b: {  	_ =	swait.ge [sflag:s19], $0x2800  }
0x4c: {  	[sflag:s19] =	ssyncset.done $0x0  }
0x4d: {  	[sflag:s19] =	ssyncadd.s32 $0xFFFFD800  }
0x4e: {  	[tilespmem:s16], [sflag:$0x1] =	stream.indirect.gather [hbm4b:s1+s15], $0x80, s23, s15, $0xb8;
	[tilespmem:$0x1F780] =	vst v63  }
0x4f: {  	_ =	swait.ge [sflag:s20], $0x2800  }
0x50: {  	[sflag:s20] =	ssyncset.done $0x0  }
0x51: {  	[sflag:s20] =	ssyncadd.s32 $0xFFFFD800  }
0x52: {  	_ =	swait.ge [sflag:s19], $0x2800  }
0x53: {  	[sflag:s19] =	ssyncset.done $0x0  }
0x54: {  	[sflag:s19] =	ssyncadd.s32 $0xFFFFD800  }
0x55: {  	[spmem:s3] =	stream.indirect.scatter.add.f32 [tilespmem:s16], [sflag:$0x1], $0x80, s24, s15, $0xb8;
	[tilespmem:$0x1F780] =	vst v63  }
0x56: {  	_ =	swait.ge [sflag:s19], $0x2800  }
0x57: {  	s25 =	sadd.s32 $0x1, s25;
	[sflag:s19] =	ssyncset.done $0x0  }
0x58: {  	p0 =	sne.s32 s25, s10;
	[sflag:s19] =	ssyncadd.s32 $0xFFFFD800  }
.Ltmp1:
0x59: {  	[bflag:$0x0] =	sbarrier.arrive $0xFFFF;
	(pc) =	sbr.rel @p0 .LBB2_1-.Ltmp1, $4  }
0x5a: {  	[hbm:s9], [sflag:s6] =	dma.local [spmem:s11], $0x2800  }
0x5b: {  	_ =	swait.ge [sflag:s12], $0x2800  }
0x5c: {  	[sflag:s12] =	ssyncset.done $0x0  }
0x5d: {  	[sflag:s12] =	ssyncadd.s32 $0xFFFFD800  }
0x5e: {  	_ =	sfence.sel $0x180000  }
0x5f: {  	[bflag:$0x0] =	sbarrier.arrive $0xFFFF  }
0x60: {  	p0 =	sne.s32 s0, $0x0;
	_ =	strace $0x9000004D  }
0x61: {  	s0 =	sadd.s32 @!p0 $0x100000, s2;
	[bflag:$0x2] =	sbarrier.arrive $0xFFFF  }
0x62: {  	[sflag:s0] =	ssyncadd.tile.s32 @!p0 $0x1;
	_ =	shalt  }
.Lfunc_end2:
_tile_overlayer_lowered:
.L_overlay_start_2:
0x63: {  	(tag) =	ssettag $0x2  }
0x64: {  	s0 =	rddreg [dreg:$0x0];
	s2 =	stileid.u32  }
0x65: {  	s1 =	rddreg [dreg:$0x1];
	p0 =	sne.s32 s2, $0x0  }
0x66: {  	s3 =	rddreg [dreg:$0x2];
	[bflag:$0x3] =	sbarrier.arrive $0xFFFF;
	s2 =	simm.s32 @!p0 $0x1C03  }
0x67: {  	[timem:s3], [sflag:s2] =	dma.local @!p0 [hbm:s0], s1  }
0x68: {  	s0 =	simm.s32 @!p0 $0x3  }
0x69: {  	_ =	swait.ge @!p0 [sflag:s0], s1  }
0x6a: {  	s1 =	ssub.s32 @!p0 $0x0, s1;
	[sflag:s0] =	ssyncset.done @!p0 $0x0  }
0x6b: {  	[sflag:s0] =	ssyncadd.s32 @!p0 s1  }
0x6c: {  	[bflag:$0x3] =	sbarrier.arrive $0xFFFF  }
0x6d: {  	_ =	shalt  }

// kernel: kernel.7.cloned.1.call-start
scs
__scs_entry_jumppad:
0x0: {  	(pc) =	sbr.rel $0x88, $3  }
0x1: {  	(tag) =	ssettag $0x0;
	lr =	simm.s32 $0x1  }
0x2: {  	[smem:$0x3F99] =	sst lr;
	_ =	strace $0xD0000000  }
0x3: {  	_ = 	snop  }
0x4: {  	_ = 	snop  }
0x5: {  	_ = 	snop  }
0x6: {  	_ = 	snop  }
0x7: {  	_ = 	snop  }
__scs_overlays_trampoline_lowered:
0x8: {  	[smem:$0x3FA8] =	sst s0  }
0x9: {  	[smem:$0x3FA9] =	sst s1  }
0xa: {  	[smem:$0x3FAA] =	sst s2  }
0xb: {  	[smem:$0x3FAB] =	sst s3  }
0xc: {  	[smem:$0x3FAC] =	sst s4  }
0xd: {  	[smem:$0x3FAD] =	sst s5  }
0xe: {  	[smem:$0x3FAE] =	sst s6  }
0xf: {  	[smem:$0x3FAF] =	sst s7  }
0x10: {  	[smem:$0x3FB0] =	sst s8  }
0x11: {  	[smem:$0x3FB1] =	sst s9;
	s0 =	simm.s32 @!p0 $0x0  }
0x12: {  	s1 =	sld [smem:$0x3F97];
	s0 =	simm.s32 @p0 $0x1  }
0x13: {  	[smem:$0x3FB2] =	sst s0;
	s0 =	simm.s32 @!p1 $0x0  }
0x14: {  	s2 =	sld [smem:$0x3F96];
	s0 =	simm.s32 @p1 $0x1  }
0x15: {  	[smem:$0x3FB3] =	sst s0;
	s0 =	simm.s32 @!p2 $0x0  }
0x16: {  	s3 =	sld [smem:$0x3FDB];
	s0 =	simm.s32 @p2 $0x1  }
0x17: {  	s4 =	simm.s32 $0x1BF5;
	[smem:$0x3FB5] =	sst s0  }
0x18: {  	s0 =	sld [smem:$0x3F98];
	_ =	swait.ge [sflag:s4], $0x0  }
0x19: {  	s7 =	sld [smem:$0x3F99]  }
0x1a: {  	s8 =	sadd.s32 $0xFFFFE003, lr  }
0x1b: {  	s9 =	sadd.s32 $0xFFFFFEF7, lr;
	s5 =	simm.s32 $0xFFFFFFFF;
	p2 =	slt.u32 s8, $0xFFFFF086  }
0x1c: {  	p1 =	slt.u32 s9, $0xF7A;
	s5 =	simm.s32 @!p2 $0x0  }
0x1d: {  	s5 =	simm.s32 @p1 $0x1;
	p0 =	seq.s32 s7, s2  }
0x1e: {  	s7 =	smul.u32 @!p0 $0xF7A, s2;
	p2 =	seq.s32 @!p0 s5, $0x0  }
0x1f: {  	s9 =	smul.u32 $0xF7A, s1;
	s8 =	simm.s32 @!p0 $0x1BF5;
	p2 =	por !p2, p0  }
0x20: {  	[sflag:s8] =	ssyncset.s32 @!p0 $0xFFFFF086;
	s6 =	sadd.s32 @!p0 s3, s7;
	s7 =	simm.s32 @!p0 $0x108  }
0x21: {  	s3 =	sadd.s32 s3, s9;
	s6 =	sadd.s32 @!p0 $0x88, s6;
	s7 =	simm.s32 @p2 $0x1082  }
0x22: {  	[simem:s7], [sflag:s8] =	dma.local @!p0 [hbm:s6], $0xF7A  }
0x23: {  	s9 =	sor.u32 $0xD0000000, s2;
	s6 =	simm.s32 $0x108;
	_ =	swait.ge @!p0 [sflag:s8], $0x0  }
0x24: {  	s3 =	sadd.s32 $0x88, s3;
	s6 =	simm.s32 @!p1 $0x1082;
	[sflag:s4] =	ssyncset.s32 $0xFFFFF086  }
0x25: {  	[simem:s6], [sflag:s4] =	dma.local [hbm:s3], $0xF7A  }
0x26: {  	[smem:$0x3F99] =	sst s1;
	(tag) =	ssettag s2;
	_ =	strace s9  }
0x27: {  	s1 =	sld [smem:$0x3FA9]  }
0x28: {  	s2 =	sld [smem:$0x3FAA]  }
0x29: {  	s4 =	sld [smem:$0x3FAC]  }
0x2a: {  	p0 =	seq.s32 s5, $0x0;
	s5 =	sld [smem:$0x3FAD]  }
0x2b: {  	s6 =	sld [smem:$0x3FAE]  }
0x2c: {  	s7 =	sld [smem:$0x3FAF]  }
0x2d: {  	s3 =	simm.s32 $0x108;
	s8 =	sld [smem:$0x3FB0]  }
0x2e: {  	s3 =	simm.s32 @!p0 $0x1082;
	s9 =	sld [smem:$0x3FB1]  }
0x2f: {  	lr =	sadd.s32 s0, s3;
	s0 =	sld [smem:$0x3FA8]  }
0x30: {  	s3 =	sld [smem:$0x3FAB]  }
0x31: {  	[smem:$0x3FB4] =	sst s10  }
0x32: {  	s10 =	sld [smem:$0x3FB2];
	_ =	sdelay $0x3  }
0x33: {  	p0 =	seq.s32 s10, $0x1;
	s10 =	sld [smem:$0x3FB4];
	_ =	sdelay $0x3  }
0x34: {  	[smem:$0x3FB4] =	sst s10  }
0x35: {  	s10 =	sld [smem:$0x3FB3];
	_ =	sdelay $0x3  }
0x36: {  	p1 =	seq.s32 s10, $0x1;
	s10 =	sld [smem:$0x3FB4];
	_ =	sdelay $0x3  }
0x37: {  	[smem:$0x3FB4] =	sst s10  }
0x38: {  	s10 =	sld [smem:$0x3FB5]  }
0x39: {  	_ = 	snop;
	(pc) =	sbr.ind lr, $3  }
0x3a: {  	_ = 	snop  }
0x3b: {  	_ = 	snop  }
0x3c: {  	p2 =	seq.s32 s10, $0x1;
	s10 =	sld [smem:$0x3FB4]  }
0x3d: {  	_ =	shalt  }
0x3e: {  	_ =	shalt  }
0x3f: {  	_ =	shalt  }
0x40: {  	_ =	shalt  }
0x41: {  	_ =	shalt  }
0x42: {  	_ =	shalt  }
0x43: {  	_ =	shalt  }
0x44: {  	_ =	shalt  }
0x45: {  	_ =	shalt  }
0x46: {  	_ =	shalt  }
0x47: {  	_ =	shalt  }
0x48: {  	_ =	shalt  }
0x49: {  	_ =	shalt  }
0x4a: {  	_ =	shalt  }
0x4b: {  	_ =	shalt  }
0x4c: {  	_ =	shalt  }
0x4d: {  	_ =	shalt  }
0x4e: {  	_ =	shalt  }
0x4f: {  	_ =	shalt  }
0x50: {  	_ =	shalt  }
0x51: {  	_ =	shalt  }
0x52: {  	_ =	shalt  }
0x53: {  	_ =	shalt  }
0x54: {  	_ =	shalt  }
0x55: {  	_ =	shalt  }
0x56: {  	_ =	shalt  }
0x57: {  	_ =	shalt  }
0x58: {  	_ =	shalt  }
0x59: {  	_ =	shalt  }
0x5a: {  	_ =	shalt  }
0x5b: {  	_ =	shalt  }
0x5c: {  	_ =	shalt  }
0x5d: {  	_ =	shalt  }
0x5e: {  	_ =	shalt  }
0x5f: {  	_ =	shalt  }
0x60: {  	_ =	shalt  }
0x61: {  	_ =	shalt  }
0x62: {  	_ =	shalt  }
0x63: {  	_ =	shalt  }
0x64: {  	_ =	shalt  }
0x65: {  	_ =	shalt  }
0x66: {  	_ =	shalt  }
0x67: {  	_ =	shalt  }
0x68: {  	_ =	shalt  }
0x69: {  	_ =	shalt  }
0x6a: {  	_ =	shalt  }
0x6b: {  	_ =	shalt  }
0x6c: {  	_ =	shalt  }
0x6d: {  	_ =	shalt  }
0x6e: {  	_ =	shalt  }
0x6f: {  	_ =	shalt  }
0x70: {  	_ =	shalt  }
0x71: {  	_ =	shalt  }
0x72: {  	_ =	shalt  }
0x73: {  	_ =	shalt  }
0x74: {  	_ =	shalt  }
0x75: {  	_ =	shalt  }
0x76: {  	_ =	shalt  }
0x77: {  	_ =	shalt  }
0x78: {  	_ =	shalt  }
0x79: {  	_ =	shalt  }
0x7a: {  	_ =	shalt  }
0x7b: {  	_ =	shalt  }
0x7c: {  	_ =	shalt  }
0x7d: {  	_ =	shalt  }
0x7e: {  	_ =	shalt  }
0x7f: {  	_ =	shalt  }
0x80: {  	_ =	shalt  }
0x81: {  	_ =	shalt  }
0x82: {  	_ =	shalt  }
0x83: {  	_ =	shalt  }
0x84: {  	_ =	shalt  }
0x85: {  	_ =	shalt  }
0x86: {  	_ =	shalt  }
0x87: {  	_ =	shalt  }
.Lfunc_end0:
.L_simem_size_0:
called_computation_lowered:
.L_overlay_start_0:
0x88: {  	s2 =	sld [smem:$0x3FD9]  }
0x89: {  	s3 =	sld [smem:$0x3FFE];
	_ =	sdelay $0x1  }
0x8a: {  	s1 =	srdreg.scid  }
0x8b: {  	s0 =	sand.u32 $0x1, s1  }
0x8c: {  	s17 =	sshll.u32 s0, $0xA;
	s2 =	sadd.s32 s3, s2  }
0x8d: {  	s2 =	sadd.s32 s2, s17  }
0x8e: {  	[smem:$0x3FC0] =	sst s2  }
0x8f: {  	_ = 	snop  }
0x90: {  	s2 =	sld [smem:$0x3FD0];
	(tm) =	ssettm $0x1  }
0x91: {  	s18 =	sld [smem:$0x3FFB];
	_ =	sdelay $0x3  }
0x92: {  	_ =	strace s18  }
0x93: {  	s3 =	sld [smem:$0x3FFC];
	_ =	sdelay $0x3  }
0x94: {  	_ =	strace s3  }
0x95: {  	s3 =	sld [smem:$0x3FFD];
	_ =	sdelay $0x3  }
0x96: {  	_ =	strace s3  }
0x97: {  	_ =	strace $0x8FFFFFFF  }
0x98: {  	s19 =	sld [smem:$0x3FDB];
	_ =	sdelay $0x1  }
0x99: {  	s4 =	simm.s32 $_scs_section_size  }
0x9a: {  	s5 =	simm.s32 $_size__tile_overlayer_lowered;
	s6 =	simm.s32 $_tile_overlayer_lowered  }
0x9b: {  	s22 =	simm.s32 $0x1BFF;
	s21 =	sshll.u32 s6, $0x1;
	s3 =	sadd.s32 s4, s19  }
0x9c: {  	s7 =	simm.s32 $0x0;
	s20 =	sshll.u32 s5, $0x1;
	s5 =	sadd.s32 s21, s3  }
0x9d: {  	[timem:s7], [sflag:s22] =	dma.local [hbm:s5], s20  }
0x9e: {  	_ =	swait.ge [sflag:s22], s20  }
0x9f: {  	s4 =	ssub.s32 $0x0, s20;
	[sflag:s22] =	ssyncset.done $0x0  }
0xa0: {  	[sflag:s22] =	ssyncadd.s32 s4;
	_ =	sdelay $0x1  }
0xa1: {  	s23 =	simm.s32 $0x1B8B  }
0xa2: {  	_ =	swait.ge [sflag:s23], $0x1  }
0xa3: {  	[sflag:s23] =	ssyncset.done $0x0  }
0xa4: {  	s25 =	simm.s32 $0x1B8E;
	s24 =	sld [smem:$0x3FFE];
	[sflag:s23] =	ssyncadd.s32 $0xFFFFFFFF  }
0xa5: {  	s26 =	simm.s32 $execute0_lowered;
	[smem:$0x3FD2] =	sst s25  }
0xa6: {  	s5 =	sshll.u32 s26, $0x1;
	_ =	strace $0x80000046;
	[dreg:$0x1] =	wrdreg $0xFFFFFFFF  }
0xa7: {  	s28 =	simm.s32 $_size_execute0_lowered;
	s3 =	sadd.s32 s3, s5;
	[dreg:$0x0] =	wrdreg $0x0  }
0xa8: {  	s5 =	sshll.u32 s28, $0x1;
	[dreg:$0x2] =	wrdreg s3  }
0xa9: {  	[dreg:$0x3] =	wrdreg s5  }
0xaa: {  	[dreg:$0x4] =	wrdreg $0xC0  }
0xab: {  	_ =	task [dreg:s7], $0x5FFFF  }
0xac: {  	[dreg:$0x1] =	wrdreg $0xFFFFFFFF  }
0xad: {  	[dreg:$0x0] =	wrdreg $0x60  }
0xae: {  	[dreg:$0x2] =	wrdreg s24  }
0xaf: {  	[dreg:$0x3] =	wrdreg s2  }
0xb0: {  	[dreg:$0x4] =	wrdreg $0x0  }
0xb1: {  	[dreg:$0x5] =	wrdreg $0x9  }
0xb2: {  	_ =	task.clear_ibuf [dreg:s7], $0x6FFFF;
	_ =	strace $0x90000046  }
0xb3: {  	s29 =	simm.s32 $0x9;
	_ =	strace $0x80000048  }
0xb4: {  	_ =	swait.ge [sflag:s29], $0x1  }
0xb5: {  	[sflag:s29] =	ssyncadd.s32 $0xFFFFFFFF  }
0xb6: {  	_ =	strace $0x90000048  }
0xb7: {  	_ =	sfence  }
0xb8: {  	s30 =	sld [smem:$0x0];
	_ =	sdelay $0x2  }
0xb9: {  	s31 =	sshll.u32 s1, $0xD;
	s1 =	sshrl.u32 s1, $0x2  }
0xba: {  	s3 =	sand.u32 $0x4000, s31;
	s1 =	sadd.s32 s1, s30  }
0xbb: {  	s0 =	sor.u32 s3, s0;
	s1 =	sshll.u32 s1, $0x11  }
0xbc: {  	s0 =	sor.u32 s1, s0  }
0xbd: {  	s0 =	sadd.s32 $0x8F2B, s0  }
0xbe: {  	[sflag:s0] =	ssyncadd.remote.s32 $0x1  }
0xbf: {  	_ =	sfence.sel $0xFFFF  }
0xc0: {  	[dreg:$0x0] =	wrdreg $0xFFFFFFFF;
	(pc) =	sbr.abs _section_cstart, $3  }
0xc1: {  	[dreg:$0x1] =	wrdreg $0xFFFFFFFF  }
0xc2: {  	_ =	task.clear_ibuf [dreg:s7], $0x2FFFF;
	_ =	strace $0x9FFFFFFF  }
0xc3: {  	(tm) =	ssettm $0x7FFFFFFF  }
tec
execute0_lowered:
.L_overlay_start_1:
0x0: {  	(tag) =	ssettag $0x1  }
0x1: {  	s6 =	rddreg [dreg:$0x0]  }
0x2: {  	s1 =	rddreg [dreg:$0x1]  }
0x3: {  	s2 =	rddreg [dreg:$0x2]  }
0x4: {  	s3 =	srdreg.scid;
	s0 =	rddreg [dreg:$0x3]  }
0x5: {  	s4 =	simm.s32 $0x0;
	s13 =	simm.s32 $0x14000;
	s14 =	simm.s32 $0x50  }
0x6: {  	s15 =	simm.s32 $0x1;
	s7 =	sand.u32 $0x1, s3;
	s3 =	stileid.u32  }
0x7: {  	s16 =	simm.s32 $0x0;
	[smem:$0x7FF] =	sst s4;
	s8 =	smul.u32 $0x140000, s7  }
0x8: {  	s5 =	sshll.u32 s7, $0xB;
	s9 =	smul.u32 $0x14000, s3;
	_ =	strace $0x80000047  }
0x9: {  	s7 =	ssub.s32 $0x2, s7;
	s11 =	smul.u32 $0x50000, s3;
	s29 =	sshll.u32 s3, $0xC  }
0xa: {  	s31 =	sshll.u32 s3, $0x6;
	s10 =	sadd.s32 s5, s6;
	s28 =	sshrl.u32 s7, $0x1  }
0xb: {  	s5 =	sadd.s32 $0x1BE00, s6;
	s8 =	sadd.s32 s9, s8;
	s9 =	ssub.s32 s7, s28  }
0xc: {  	s30 =	sshrl.u32 s11, $0x2;
	s10 =	sadd.s32 s29, s10;
	s11 =	simm.s32 $0x2  }
0xd: {  	s8 =	sshrl.u32 s8, $0x3;
	s12 =	sadd.s32 s30, s2;
	s7 =	sadd.s32 $0xBE00, s10  }
0xe: {  	s9 =	smax.u32 s9, $0x1;
	s8 =	sadd.s32 s8, s6;
	s6 =	sor.u32 $0x1C02, s31  }
0xf: {  	s10 =	sshrl.u32 s12, $0x3;
	s12 =	simm.s32 $0x18000;
	s8 =	sadd.s32 $0x1E600, s8  }
.LBB2_1:
0x10: {  	[spmem:s10], [sflag:s6] =	dma.local [hbm:s5], $0x2800  }
0x11: {  	_ =	swait.ge [sflag:s11], $0x2800  }
0x12: {  	[sflag:s11] =	ssyncset.done $0x0  }
0x13: {  	[sflag:s11] =	ssyncadd.s32 $0xFFFFD800  }
0x14: {  	[tilespmem:s12], [sflag:$0x2] =	stream.linear.gather [hbm4b:s1+s4], $0x2800, $0x38;
	[tilespmem:$0x1A800] =	vst v63  }
0x15: {  	_ =	swait.ge [sflag:s11], $0x2800  }
0x16: {  	[sflag:s11] =	ssyncset.done $0x0  }
0x17: {  	[sflag:s11] =	ssyncadd.s32 $0xFFFFD800  }
0x18: {  	[tilespmem:s13], [sflag:$0x2] =	stream.linear.gather [hbm4b:s7+s4], $0x3E80, $0x38;
	[tilespmem:$0x1A800] =	vst v63  }
0x19: {  	_ =	swait.ge [sflag:s11], $0x3E80  }
0x1a: {  	[sflag:s11] =	ssyncset.done $0x0  }
0x1b: {  	[sflag:s11] =	ssyncadd.s32 $0xFFFFC180  }
0x1c: {  	s17 =	simm.s32 $0x0;
	[bflag:$0x0] =	sbarrier.arrive $0xFFFF  }
.LBB2_2:
0x1d: {  	p0 =	sne.s32 s17, $0xF800  }
.Ltmp0:
0x1e: {  	_ = 	snop;
	(pc) =	sbr.rel @p0 .LBB2_2-.Ltmp0, $4  }
0x1f: {  	_ = 	snop  }
0x20: {  	s18 =	sshra.s32 s17, $0x2  }
0x21: {  	s17 =	sadd.s32 $0x200, s17;
	s18 =	sadd.s32 $0x14000, s18  }
0x22: {  	[spmem:s2] =	stream.indirect.scatter.add.f32 [tilespmem:s12], [sflag:$0x1], $0x80, s18, s14, $0xb8;
	[tilespmem:$0x1A800] =	vst v63  }
0x23: {  	_ =	swait.ge [sflag:s15], $0x2800  }
0x24: {  	s17 =	simm.s32 $0x7C;
	[sflag:s15] =	ssyncset.done $0x0  }
.LBB2_4:
0x25: {  	p0 =	sne.s32 s17, $0x1;
	s17 =	sadd.s32 $0xFFFFFFFF, s17;
	[sflag:s15] =	ssyncadd.s32 $0xFFFFD800  }
.Ltmp1:
0x26: {  	(pc) =	sbr.rel @p0 .LBB2_4-.Ltmp1, $3  }
0x27: {  	_ =	sdelay $0x1  }
0x28: {  	_ =	swait.ge [sflag:s15], $0x2800  }
0x29: {  	[sflag:s15] =	ssyncset.done $0x0  }
0x2a: {  	s16 =	sadd.s32 $0x1, s16  }
0x2b: {  	[sflag:s15] =	ssyncadd.s32 $0xFFFFD800;
	p0 =	sne.s32 s16, s9  }
.Ltmp2:
0x2c: {  	[bflag:$0x0] =	sbarrier.arrive $0xFFFF;
	(pc) =	sbr.rel @p0 .LBB2_1-.Ltmp2, $4  }
0x2d: {  	[hbm:s8], [sflag:s6] =	dma.local [spmem:s10], $0x2800  }
0x2e: {  	_ =	swait.ge [sflag:s11], $0x2800  }
0x2f: {  	[sflag:s11] =	ssyncset.done $0x0  }
0x30: {  	[sflag:s11] =	ssyncadd.s32 $0xFFFFD800  }
0x31: {  	_ =	sfence.sel $0x180000  }
0x32: {  	[bflag:$0x0] =	sbarrier.arrive $0xFFFF  }
0x33: {  	p0 =	sne.s32 s3, $0x0;
	_ =	strace $0x90000047  }
0x34: {  	s0 =	sadd.s32 @!p0 $0x100000, s0;
	[bflag:$0x2] =	sbarrier.arrive $0xFFFF  }
0x35: {  	[sflag:s0] =	ssyncadd.tile.s32 @!p0 $0x1;
	_ =	shalt  }
.Lfunc_end2:
_tile_overlayer_lowered:
.L_overlay_start_2:
0x36: {  	(tag) =	ssettag $0x2  }
0x37: {  	s0 =	rddreg [dreg:$0x0];
	s2 =	stileid.u32  }
0x38: {  	s1 =	rddreg [dreg:$0x1];
	p0 =	sne.s32 s2, $0x0  }
0x39: {  	s3 =	rddreg [dreg:$0x2];
	[bflag:$0x3] =	sbarrier.arrive $0xFFFF;
	s2 =	simm.s32 @!p0 $0x1C02  }
0x3a: {  	[timem:s3], [sflag:s2] =	dma.local @!p0 [hbm:s0], s1  }
0x3b: {  	s0 =	simm.s32 @!p0 $0x2  }
0x3c: {  	_ =	swait.ge @!p0 [sflag:s0], s1  }
0x3d: {  	s1 =	ssub.s32 @!p0 $0x0, s1;
	[sflag:s0] =	ssyncset.done @!p0 $0x0  }
0x3e: {  	[sflag:s0] =	ssyncadd.s32 @!p0 s1  }
0x3f: {  	[bflag:$0x3] =	sbarrier.arrive $0xFFFF  }
0x40: {  	_ =	shalt  }

</sc_bundles>
